<compile_context>
chip_gen: v7x
topology: tpu7x:2x2x1
jax: 0.10.2.dev20260603
libtpu: 0.0.44.dev20260713+nightly
codegen_flags: <defaults>
</compile_context>

<pallas_src>
import functools

import jax
import jax.numpy as jnp
from jax import lax
from jax.experimental import pallas as pl
from jax.experimental.pallas import tpu as pltpu
from jax.experimental.pallas import tpu_sc as plsc

N = 10000
E = 320000
F = 128
H = 4
D = 32
NP = 10112
RPT = 632
NW = 32
EPW = E // NW
CB = 128
NFULL = EPW // CB
TAIL = EPW - NFULL * CB


def _matmul_body(x_ref, w_ref, o_ref):
    o_ref[...] = lax.dot_general(
        x_ref[...], w_ref[...], (((1,), (1,)), ((), ())),
        preferred_element_type=jnp.float32)


def _tc_matmul(feat, fc_weight):
    grid = 5
    blk = N // grid
    return pl.pallas_call(
        _matmul_body,
        grid=(grid,),
        in_specs=[
            pl.BlockSpec((blk, F), lambda i: (i, 0)),
            pl.BlockSpec((F, F), lambda i: (0, 0)),
        ],
        out_specs=pl.BlockSpec((blk, F), lambda i: (i, 0)),
        out_shape=jax.ShapeDtypeStruct((N, F), jnp.float32),
    )(feat, fc_weight)


def _combine_body(a_ref, b_ref, e_ref, bias_ref, o_ref):
    e_all = e_ref[...]
    blk = a_ref.shape[0]
    parts = []
    for h in range(H):
        col = jnp.sum(e_all[:, h * NW:(h + 1) * NW], axis=1, keepdims=True)
        col = jnp.where(col > 0.0, col, 1.0)
        parts.append(jnp.broadcast_to(col, (blk, D)))
    div = jnp.concatenate(parts, axis=1)
    o_ref[...] = (a_ref[...] + b_ref[...]) / div + bias_ref[...]


def _tc_combine(r0, r1, ecols, bias2d):
    grid = 5
    blk = N // grid
    return pl.pallas_call(
        _combine_body,
        grid=(grid,),
        in_specs=[
            pl.BlockSpec((blk, F), lambda i: (i, 0)),
            pl.BlockSpec((blk, F), lambda i: (i, 0)),
            pl.BlockSpec((blk, F), lambda i: (i, 0)),
            pl.BlockSpec((1, F), lambda i: (0, 0)),
        ],
        out_specs=pl.BlockSpec((blk, F), lambda i: (i, 0)),
        out_shape=jax.ShapeDtypeStruct((N, F), jnp.float32),
    )(r0, r1, ecols, bias2d)


_LANE = lambda: lax.iota(jnp.int32, 16)


def _edge_logits(b, srows, drows, di, eebuf, esum_local, pscr, qscr):
    lane = _LANE()
    for h in range(H):
        p = (srows[b, pl.ds(32 * h, 16)] * drows[b, pl.ds(32 * h, 16)]
             + srows[b, pl.ds(32 * h + 16, 16)] * drows[b, pl.ds(32 * h + 16, 16)])
        pscr[pl.ds(16 * h, 16)] = p
    h_id = lane & 3
    q_id = lane >> 2
    acc = jnp.zeros((16,), jnp.float32)
    for i in range(4):
        acc = acc + plsc.load_gather(pscr, [h_id * 16 + 4 * q_id + i])
    qscr[...] = acc
    e4 = jnp.zeros((16,), jnp.float32)
    for q in range(4):
        e4 = e4 + plsc.load_gather(qscr, [4 * q + h_id])
    ev = jnp.where(lane < H, jnp.exp(e4), 0.0)
    eebuf[b, :] = ev
    zero = lane * 0
    dv = plsc.load_gather(di, [zero + b])
    plsc.addupdate_scatter(esum_local, [dv * 4 + h_id], ev, mask=lane < H)


def _pass_a_kernel(ft, srcg, dstg, ee_out, esum_out,
                   srows, drows, eebuf, sidx, didx,
                   srows_t, drows_t, eebuf_t, sidx_t, didx_t,
                   pscr, qscr, esum_local, sem):
    c = lax.axis_index("c")
    s = lax.axis_index("s")
    wid = c * 16 + s

    def _z(i, carry):
        esum_local[pl.ds(16 * i, 16)] = jnp.zeros((16,), jnp.float32)
        return carry
    lax.fori_loop(0, NP * 4 // 16, _z, 0)

    def do_chunk(base, nb, si, di, sr, dr, eb):
        pltpu.sync_copy(srcg.at[pl.ds(base, nb)], si)
        pltpu.sync_copy(dstg.at[pl.ds(base, nb)], di)
        pltpu.async_copy(ft.at[si], sr, sem).wait()
        pltpu.async_copy(ft.at[di], dr, sem).wait()

        def body(b, carry):
            _edge_logits(b, sr, dr, di, eb, esum_local, pscr, qscr)
            return carry
        lax.fori_loop(0, nb, body, 0)
        pltpu.sync_copy(eb, ee_out.at[pl.ds(base, nb)])

    def chunk_loop(k, carry):
        base = pl.multiple_of(wid * EPW + k * CB, 8)
        do_chunk(base, CB, sidx, didx, srows, drows, eebuf)
        return carry
    lax.fori_loop(0, NFULL, chunk_loop, 0)
    tbase = pl.multiple_of(wid * EPW + NFULL * CB, 8)
    do_chunk(tbase, TAIL, sidx_t, didx_t, srows_t, drows_t, eebuf_t)

    pltpu.sync_copy(esum_local, esum_out.at[wid])


def _sc_pass_a(ft, src, dst):
    mesh = plsc.VectorSubcoreMesh(core_axis_name="c", subcore_axis_name="s")
    kern = functools.partial(
        pl.kernel,
        out_type=(jax.ShapeDtypeStruct((E, 16), jnp.float32),
                  jax.ShapeDtypeStruct((NW, NP * 4), jnp.float32)),
        mesh=mesh,
        compiler_params=pltpu.CompilerParams(needs_layout_passes=False),
        scratch_types=[
            pltpu.VMEM((CB, F), jnp.float32),
            pltpu.VMEM((CB, F), jnp.float32),
            pltpu.VMEM((CB, 16), jnp.float32),
            pltpu.VMEM((CB,), jnp.int32),
            pltpu.VMEM((CB,), jnp.int32),
            pltpu.VMEM((TAIL, F), jnp.float32),
            pltpu.VMEM((TAIL, F), jnp.float32),
            pltpu.VMEM((TAIL, 16), jnp.float32),
            pltpu.VMEM((TAIL,), jnp.int32),
            pltpu.VMEM((TAIL,), jnp.int32),
            pltpu.VMEM((64,), jnp.float32),
            pltpu.VMEM((16,), jnp.float32),
            pltpu.VMEM((NP * 4,), jnp.float32),
            pltpu.SemaphoreType.DMA,
        ],
    )(_pass_a_kernel)
    return kern(ft, src, dst)


def _scale_rows(b, frows, eein, qscr):
    lane = _LANE()
    qscr[...] = eein[b, :]
    zero = lane * 0
    for h in range(H):
        ah = plsc.load_gather(qscr, [zero + h])
        for j in (2 * h, 2 * h + 1):
            frows[b, pl.ds(16 * j, 16)] = frows[b, pl.ds(16 * j, 16)] * ah


def _pass_b_kernel(ft, srcg, dstg, eeg, rst_out,
                   frows, eein, sidx, didx,
                   frows_t, eein_t, sidx_t, didx_t,
                   qscr, rst_sh, sem):
    c = lax.axis_index("c")
    s = lax.axis_index("s")
    wid = c * 16 + s

    def _z(b, carry):
        for j in range(8):
            frows[b, pl.ds(16 * j, 16)] = jnp.zeros((16,), jnp.float32)
        return carry
    lax.fori_loop(0, CB, _z, 0)
    row0 = s * RPT
    for off, n in ((0, 128), (128, 128), (256, 128), (384, 128), (512, 120)):
        pltpu.sync_copy(frows.at[pl.ds(0, n)], rst_sh.at[pl.ds(row0 + off, n)])
    plsc.subcore_barrier()

    def do_chunk(base, nb, si, di, fr, ei):
        pltpu.sync_copy(srcg.at[pl.ds(base, nb)], si)
        pltpu.sync_copy(dstg.at[pl.ds(base, nb)], di)
        pltpu.async_copy(ft.at[si], fr, sem).wait()
        pltpu.sync_copy(eeg.at[pl.ds(base, nb)], ei)

        def body(b, carry):
            _scale_rows(b, fr, ei, qscr)
            return carry
        lax.fori_loop(0, nb, body, 0)
        pltpu.sync_copy(fr, rst_sh.at[di], add=True)

    def chunk_loop(k, carry):
        base = pl.multiple_of(wid * EPW + k * CB, 8)
        do_chunk(base, CB, sidx, didx, frows, eein)
        return carry
    lax.fori_loop(0, NFULL, chunk_loop, 0)
    tbase = pl.multiple_of(wid * EPW + NFULL * CB, 8)
    do_chunk(tbase, TAIL, sidx_t, didx_t, frows_t, eein_t)

    plsc.subcore_barrier()
    pltpu.sync_copy(rst_sh.at[pl.ds(row0, RPT)],
                    rst_out.at[c, pl.ds(row0, RPT)])


def _sc_pass_b(ft, src, dst, ee):
    mesh = plsc.VectorSubcoreMesh(core_axis_name="c", subcore_axis_name="s")
    kern = functools.partial(
        pl.kernel,
        out_type=jax.ShapeDtypeStruct((2, NP, F), jnp.float32),
        mesh=mesh,
        compiler_params=pltpu.CompilerParams(needs_layout_passes=False),
        scratch_types=[
            pltpu.VMEM((CB, F), jnp.float32),
            pltpu.VMEM((CB, 16), jnp.float32),
            pltpu.VMEM((CB,), jnp.int32),
            pltpu.VMEM((CB,), jnp.int32),
            pltpu.VMEM((TAIL, F), jnp.float32),
            pltpu.VMEM((TAIL, 16), jnp.float32),
            pltpu.VMEM((TAIL,), jnp.int32),
            pltpu.VMEM((TAIL,), jnp.int32),
            pltpu.VMEM((16,), jnp.float32),
            pltpu.VMEM_SHARED((NP, F), jnp.float32),
            pltpu.SemaphoreType.DMA,
        ],
    )(_pass_b_kernel)
    return kern(ft, src, dst, ee)


@jax.jit
def kernel(feat, fc_weight, bias, edge_index):
    ft = _tc_matmul(feat, fc_weight)
    src = edge_index[0]
    dst = edge_index[1]
    ee, esum = _sc_pass_a(ft, src, dst)
    rst = _sc_pass_b(ft, src, dst, ee)
    ecols = esum.reshape(NW, NP, 4).transpose(1, 2, 0).reshape(NP, F)
    out = _tc_combine(rst[0], rst[1], ecols, bias.reshape(1, F))
    return out.reshape(N, H, D)

# --- scband reference (transcript-rebuilt; emitter-appended) ---
"""Pipeline reference for scband-gatdot-conv-45578192945955 (READ-ONLY COPY).

The authoritative reference and input builder live on the scoring server;
editing this copy changes nothing except your own understanding.
"""

import jax, jax.numpy as jnp
import numpy as np

N = 10000
E = 320000
IN_FEATS = 128
NUM_HEADS = 4
OUT_FEATS = 32


def setup_inputs(seed: int = 0) -> dict:
    key = jax.random.key(seed)
    k1, k2, k3, k4 = jax.random.split(key, 4)
    feat = jax.random.normal(k1, (N, IN_FEATS), dtype=jnp.float32)
    edge_index = jax.random.randint(k2, (2, E), 0, N, dtype=jnp.int32)
    # fc weight: nn.Linear(in_feats, out_feats*num_heads, bias=False), xavier_normal with relu gain
    gain = float(np.sqrt(2.0))
    std = gain * float(np.sqrt(2.0 / (IN_FEATS + NUM_HEADS * OUT_FEATS)))
    fc_weight = jax.random.normal(k3, (NUM_HEADS * OUT_FEATS, IN_FEATS), dtype=jnp.float32) * std
    # explicit bias (residual=False, bias=True); reset_parameters sets it to 0, use small random for nontrivial grads
    bias = jax.random.normal(k4, (NUM_HEADS * OUT_FEATS,), dtype=jnp.float32) * 0.05
    return {"feat": feat, "fc_weight": fc_weight, "bias": bias, "edge_index": edge_index}


def reference(feat, fc_weight, bias, edge_index):
    n = feat.shape[0]
    src = edge_index[0]
    dst = edge_index[1]
    # feat_src = feat_dst = fc(feat).view(N, H, D)  (feat_drop is identity with p=0)
    ft = (feat @ fc_weight.T).reshape(n, NUM_HEADS, OUT_FEATS)
    # apply_edges(fn.u_dot_v('ft','ft','e')) -> per-edge per-head dot product
    e = jnp.sum(ft[src] * ft[dst], axis=-1)  # [E, H]
    # edge_softmax over incoming edges of each dst node (per head)
    emax = jax.ops.segment_max(e, dst, num_segments=n)  # [N, H]
    ee = jnp.exp(e - emax[dst])
    esum = jax.ops.segment_sum(ee, dst, num_segments=n)  # [N, H]
    a = ee / esum[dst]  # [E, H]  (attn_drop identity with p=0)
    # update_all(u_mul_e('ft','a','m'), sum('m','ft'))
    m = a[:, :, None] * ft[src]  # [E, H, D]
    rst = jax.ops.segment_sum(m, dst, num_segments=n)  # [N, H, D]
    # explicit bias
    rst = rst + bias.reshape(1, NUM_HEADS, OUT_FEATS)
    return rst

if __name__ == "__main__":
    import jax
    _d = setup_inputs()
    print(jax.jit(kernel)(*tuple(_d.values())))

</pallas_src>

<mosaic_0001>
#map = affine_map<(d0, d1) -> (0, 0)>
#map1 = affine_map<(d0, d1) -> (0)>
module attributes {stable_mosaic.version = 14 : i64} {
  func.func @_pass_a_kernel(%arg0: i32, %arg1: i32, %arg2: memref<10000x128xf32, #tpu.memory_space<hbm>>, %arg3: memref<320000xi32, #tpu.memory_space<hbm>>, %arg4: memref<320000xi32, #tpu.memory_space<hbm>>, %arg5: memref<320000x16xf32, #tpu.memory_space<hbm>>, %arg6: memref<32x40448xf32, #tpu.memory_space<hbm>>, %arg7: memref<128x128xf32, #tpu.memory_space<vmem>>, %arg8: memref<128x128xf32, #tpu.memory_space<vmem>>, %arg9: memref<128x16xf32, #tpu.memory_space<vmem>>, %arg10: memref<128xi32, #tpu.memory_space<vmem>>, %arg11: memref<128xi32, #tpu.memory_space<vmem>>, %arg12: memref<16x128xf32, #tpu.memory_space<vmem>>, %arg13: memref<16x128xf32, #tpu.memory_space<vmem>>, %arg14: memref<16x16xf32, #tpu.memory_space<vmem>>, %arg15: memref<16xi32, #tpu.memory_space<vmem>>, %arg16: memref<16xi32, #tpu.memory_space<vmem>>, %arg17: memref<64xf32, #tpu.memory_space<vmem>>, %arg18: memref<16xf32, #tpu.memory_space<vmem>>, %arg19: memref<40448xf32, #tpu.memory_space<vmem>>, %arg20: memref<!tpu.dma_semaphore, #tpu.memory_space<semaphore_mem>>) attributes {dimension_semantics = [#tpu.dimension_semantics<core_parallel>, #tpu.dimension_semantics<subcore_parallel>], iteration_bounds = array<i64: 2, 16>, scalar_prefetch = 0 : i64, scratch_operands = 14 : i64, tpu.core_type = #tpu.core_type<sc_vector_subcore>, window_params = [{transform_indices = #map}, {transform_indices = #map1}, {transform_indices = #map1}, {transform_indices = #map}, {transform_indices = #map}]} {
    %mul3A = arith.constant 16 : i32
    %mul3A_0 = arith.muli %arg0, %mul3A : i32
    %add3A = arith.addi %mul3A_0, %arg1 : i32
    %scan3A = arith.constant 0 : i32
    %scan3A_1 = arith.constant 0 : i32
    %scan3A_2 = arith.constant 2528 : i32
    %scan3A_3 = arith.addi %scan3A_1, %scan3A_2 : i32
    %scan3A_4 = arith.constant 1 : i32
    scf.for %scan3A_32 = %scan3A_1 to %scan3A_3 step %scan3A_4  : i32 {
      %broadcast_in_dim3A = arith.constant 0.000000e+00 : f32
      %broadcast_in_dim3A_33 = vector.broadcast %broadcast_in_dim3A : f32 to vector<16xf32>
      %mul3A_34 = arith.constant 16 : i32
      %mul3A_35 = arith.muli %mul3A_34, %scan3A_32 : i32
      %swap3A = arith.index_cast %mul3A_35 : i32 to index
      %swap3A_36 = tpu.vector_load %arg19[%swap3A] {strides = array<i32>} : memref<40448xf32, #tpu.memory_space<vmem>>, vector<16xf32>,
      tpu.vector_store %arg19[%swap3A], %broadcast_in_dim3A_33 {strides = array<i32>} : memref<40448xf32, #tpu.memory_space<vmem>>, vector<16xf32>,
    }
    %scan3A_5 = arith.constant 2528 : i32
    %scan3A_6 = arith.constant 0 : i32
    %scan3A_7 = arith.constant 0 : i32
    %scan3A_8 = arith.constant 78 : i32
    %scan3A_9 = arith.addi %scan3A_7, %scan3A_8 : i32
    %scan3A_10 = arith.constant 1 : i32
    scf.for %scan3A_32 = %scan3A_7 to %scan3A_9 step %scan3A_10  : i32 {
      %mul3A_33 = arith.constant 10000 : i32
      %mul3A_34 = arith.muli %add3A, %mul3A_33 : i32
      %mul3A_35 = arith.constant 128 : i32
      %mul3A_36 = arith.muli %scan3A_32, %mul3A_35 : i32
      %add3A_37 = arith.addi %mul3A_34, %mul3A_36 : i32
      %multiple_of3A_38 = tpu.assume_multiple %add3A_37, 8 : i32
      "tpu.region"() ({
        %run_scoped3A = tpu.sem_alloc : memref<!tpu.dma_semaphore, #tpu.memory_space<semaphore_mem>>
        %dma_start3A_57 = tpu.memref_slice %arg3[%multiple_of3A_38] : memref<320000xi32, #tpu.memory_space<hbm>> -> memref<128xi32, #tpu.memory_space<hbm>>
        %dma_start3A_58 = tpu.memref_slice %arg3[%multiple_of3A_38] : memref<320000xi32, #tpu.memory_space<hbm>> -> memref<128xi32, #tpu.memory_space<hbm>>
        tpu.enqueue_dma source(%dma_start3A_58 : memref<128xi32, #tpu.memory_space<hbm>>) target(%arg10 : memref<128xi32, #tpu.memory_space<vmem>>) target_semaphore(%run_scoped3A : memref<!tpu.dma_semaphore, #tpu.memory_space<semaphore_mem>>)
        %dma_wait3A_59 = tpu.memref_slice %arg3[%multiple_of3A_38] : memref<320000xi32, #tpu.memory_space<hbm>> -> memref<128xi32, #tpu.memory_space<hbm>>
        %dma_wait3A_60 = tpu.memref_slice %arg3[%multiple_of3A_38] : memref<320000xi32, #tpu.memory_space<hbm>> -> memref<128xi32, #tpu.memory_space<hbm>>
        tpu.wait_dma2 semaphore(%run_scoped3A : memref<!tpu.dma_semaphore, #tpu.memory_space<semaphore_mem>>) src(%dma_wait3A_60 : memref<128xi32, #tpu.memory_space<hbm>>) dst(%arg10 : memref<128xi32, #tpu.memory_space<vmem>>)
        tpu.yield
      }) : () -> ()
      "tpu.region"() ({
        %run_scoped3A = tpu.sem_alloc : memref<!tpu.dma_semaphore, #tpu.memory_space<semaphore_mem>>
        %dma_start3A_57 = tpu.memref_slice %arg4[%multiple_of3A_38] : memref<320000xi32, #tpu.memory_space<hbm>> -> memref<128xi32, #tpu.memory_space<hbm>>
        %dma_start3A_58 = tpu.memref_slice %arg4[%multiple_of3A_38] : memref<320000xi32, #tpu.memory_space<hbm>> -> memref<128xi32, #tpu.memory_space<hbm>>
        tpu.enqueue_dma source(%dma_start3A_58 : memref<128xi32, #tpu.memory_space<hbm>>) target(%arg11 : memref<128xi32, #tpu.memory_space<vmem>>) target_semaphore(%run_scoped3A : memref<!tpu.dma_semaphore, #tpu.memory_space<semaphore_mem>>)
        %dma_wait3A_59 = tpu.memref_slice %arg4[%multiple_of3A_38] : memref<320000xi32, #tpu.memory_space<hbm>> -> memref<128xi32, #tpu.memory_space<hbm>>
        %dma_wait3A_60 = tpu.memref_slice %arg4[%multiple_of3A_38] : memref<320000xi32, #tpu.memory_space<hbm>> -> memref<128xi32, #tpu.memory_space<hbm>>
        tpu.wait_dma2 semaphore(%run_scoped3A : memref<!tpu.dma_semaphore, #tpu.memory_space<semaphore_mem>>) src(%dma_wait3A_60 : memref<128xi32, #tpu.memory_space<hbm>>) dst(%arg11 : memref<128xi32, #tpu.memory_space<vmem>>)
        tpu.yield
      }) : () -> ()
      %dma_start3A_39 = arith.constant 0 : i32
      %dma_start3A_40 = arith.constant 0 : i32
      %dma_start3A_41 = tpu.memref_slice %arg2[%dma_start3A_39, %dma_start3A_40] : memref<10000x128xf32, #tpu.memory_space<hbm>> -> memref<10000x128xf32, #tpu.memory_space<hbm>>
      tpu.enqueue_indirect_dma source(%dma_start3A_41 : memref<10000x128xf32, #tpu.memory_space<hbm>>) target(%arg7 : memref<128x128xf32, #tpu.memory_space<vmem>>) offsets(%arg10 : memref<128xi32, #tpu.memory_space<vmem>>) semaphore(%arg20 : memref<!tpu.dma_semaphore, #tpu.memory_space<semaphore_mem>>)
      %dma_wait3A_42 = arith.constant 0 : i32
      %dma_wait3A_43 = arith.constant 0 : i32
      %dma_wait3A_44 = tpu.memref_slice %arg2[%dma_wait3A_42, %dma_wait3A_43] : memref<10000x128xf32, #tpu.memory_space<hbm>> -> memref<10000x128xf32, #tpu.memory_space<hbm>>
      tpu.wait_indirect_dma semaphore(%arg20 : memref<!tpu.dma_semaphore, #tpu.memory_space<semaphore_mem>>) src(%dma_wait3A_44 : memref<10000x128xf32, #tpu.memory_space<hbm>>) dst(%arg7 : memref<128x128xf32, #tpu.memory_space<vmem>>)
      %dma_start3A_45 = arith.constant 0 : i32
      %dma_start3A_46 = arith.constant 0 : i32
      %dma_start3A_47 = tpu.memref_slice %arg2[%dma_start3A_45, %dma_start3A_46] : memref<10000x128xf32, #tpu.memory_space<hbm>> -> memref<10000x128xf32, #tpu.memory_space<hbm>>
      tpu.enqueue_indirect_dma source(%dma_start3A_47 : memref<10000x128xf32, #tpu.memory_space<hbm>>) target(%arg8 : memref<128x128xf32, #tpu.memory_space<vmem>>) offsets(%arg11 : memref<128xi32, #tpu.memory_space<vmem>>) semaphore(%arg20 : memref<!tpu.dma_semaphore, #tpu.memory_space<semaphore_mem>>)
      %dma_wait3A_48 = arith.constant 0 : i32
      %dma_wait3A_49 = arith.constant 0 : i32
      %dma_wait3A_50 = tpu.memref_slice %arg2[%dma_wait3A_48, %dma_wait3A_49] : memref<10000x128xf32, #tpu.memory_space<hbm>> -> memref<10000x128xf32, #tpu.memory_space<hbm>>
      tpu.wait_indirect_dma semaphore(%arg20 : memref<!tpu.dma_semaphore, #tpu.memory_space<semaphore_mem>>) src(%dma_wait3A_50 : memref<10000x128xf32, #tpu.memory_space<hbm>>) dst(%arg8 : memref<128x128xf32, #tpu.memory_space<vmem>>)
      %scan3A_51 = arith.constant 0 : i32
      %scan3A_52 = arith.constant 0 : i32
      %scan3A_53 = arith.constant 128 : i32
      %scan3A_54 = arith.addi %scan3A_52, %scan3A_53 : i32
      %scan3A_55 = arith.constant 1 : i32
      scf.for %scan3A_57 = %scan3A_52 to %scan3A_54 step %scan3A_55  : i32 {
        %iota3A = tpu.iota {dimensions = array<i32: 0>} : vector<16xi32>
        %get3A = arith.index_cast %scan3A_57 : i32 to index
        %get3A_58 = arith.constant 0 : index
        %get3A_59 = tpu.vector_load %arg7[%get3A, %get3A_58] {strides = array<i32>} : memref<128x128xf32, #tpu.memory_space<vmem>>, vector<16xf32>,
        %get3A_60 = arith.index_cast %scan3A_57 : i32 to index
        %get3A_61 = arith.constant 0 : index
        %get3A_62 = tpu.vector_load %arg8[%get3A_60, %get3A_61] {strides = array<i32>} : memref<128x128xf32, #tpu.memory_space<vmem>>, vector<16xf32>,
        %mul3A_63 = arith.mulf %get3A_59, %get3A_62 : vector<16xf32>
        %get3A_64 = arith.index_cast %scan3A_57 : i32 to index
        %get3A_65 = arith.constant 16 : index
        %get3A_66 = tpu.vector_load %arg7[%get3A_64, %get3A_65] {strides = array<i32>} : memref<128x128xf32, #tpu.memory_space<vmem>>, vector<16xf32>,
        %get3A_67 = arith.index_cast %scan3A_57 : i32 to index
        %get3A_68 = arith.constant 16 : index
        %get3A_69 = tpu.vector_load %arg8[%get3A_67, %get3A_68] {strides = array<i32>} : memref<128x128xf32, #tpu.memory_space<vmem>>, vector<16xf32>,
        %mul3A_70 = arith.mulf %get3A_66, %get3A_69 : vector<16xf32>
        %add3A_71 = arith.addf %mul3A_63, %mul3A_70 : vector<16xf32>
        %swap3A = arith.constant 0 : index
        %swap3A_72 = tpu.vector_load %arg17[%swap3A] {strides = array<i32>} : memref<64xf32, #tpu.memory_space<vmem>>, vector<16xf32>,
        tpu.vector_store %arg17[%swap3A], %add3A_71 {strides = array<i32>} : memref<64xf32, #tpu.memory_space<vmem>>, vector<16xf32>,
        %get3A_73 = arith.index_cast %scan3A_57 : i32 to index
        %get3A_74 = arith.constant 32 : index
        %get3A_75 = tpu.vector_load %arg7[%get3A_73, %get3A_74] {strides = array<i32>} : memref<128x128xf32, #tpu.memory_space<vmem>>, vector<16xf32>,
        %get3A_76 = arith.index_cast %scan3A_57 : i32 to index
        %get3A_77 = arith.constant 32 : index
        %get3A_78 = tpu.vector_load %arg8[%get3A_76, %get3A_77] {strides = array<i32>} : memref<128x128xf32, #tpu.memory_space<vmem>>, vector<16xf32>,
        %mul3A_79 = arith.mulf %get3A_75, %get3A_78 : vector<16xf32>
        %get3A_80 = arith.index_cast %scan3A_57 : i32 to index
        %get3A_81 = arith.constant 48 : index
        %get3A_82 = tpu.vector_load %arg7[%get3A_80, %get3A_81] {strides = array<i32>} : memref<128x128xf32, #tpu.memory_space<vmem>>, vector<16xf32>,
        %get3A_83 = arith.index_cast %scan3A_57 : i32 to index
        %get3A_84 = arith.constant 48 : index
        %get3A_85 = tpu.vector_load %arg8[%get3A_83, %get3A_84] {strides = array<i32>} : memref<128x128xf32, #tpu.memory_space<vmem>>, vector<16xf32>,
        %mul3A_86 = arith.mulf %get3A_82, %get3A_85 : vector<16xf32>
        %add3A_87 = arith.addf %mul3A_79, %mul3A_86 : vector<16xf32>
        %swap3A_88 = arith.constant 16 : index
        %swap3A_89 = tpu.vector_load %arg17[%swap3A_88] {strides = array<i32>} : memref<64xf32, #tpu.memory_space<vmem>>, vector<16xf32>,
        tpu.vector_store %arg17[%swap3A_88], %add3A_87 {strides = array<i32>} : memref<64xf32, #tpu.memory_space<vmem>>, vector<16xf32>,
        %get3A_90 = arith.index_cast %scan3A_57 : i32 to index
        %get3A_91 = arith.constant 64 : index
        %get3A_92 = tpu.vector_load %arg7[%get3A_90, %get3A_91] {strides = array<i32>} : memref<128x128xf32, #tpu.memory_space<vmem>>, vector<16xf32>,
        %get3A_93 = arith.index_cast %scan3A_57 : i32 to index
        %get3A_94 = arith.constant 64 : index
        %get3A_95 = tpu.vector_load %arg8[%get3A_93, %get3A_94] {strides = array<i32>} : memref<128x128xf32, #tpu.memory_space<vmem>>, vector<16xf32>,
        %mul3A_96 = arith.mulf %get3A_92, %get3A_95 : vector<16xf32>
        %get3A_97 = arith.index_cast %scan3A_57 : i32 to index
        %get3A_98 = arith.constant 80 : index
        %get3A_99 = tpu.vector_load %arg7[%get3A_97, %get3A_98] {strides = array<i32>} : memref<128x128xf32, #tpu.memory_space<vmem>>, vector<16xf32>,
        %get3A_100 = arith.index_cast %scan3A_57 : i32 to index
        %get3A_101 = arith.constant 80 : index
        %get3A_102 = tpu.vector_load %arg8[%get3A_100, %get3A_101] {strides = array<i32>} : memref<128x128xf32, #tpu.memory_space<vmem>>, vector<16xf32>,
        %mul3A_103 = arith.mulf %get3A_99, %get3A_102 : vector<16xf32>
        %add3A_104 = arith.addf %mul3A_96, %mul3A_103 : vector<16xf32>
        %swap3A_105 = arith.constant 32 : index
        %swap3A_106 = tpu.vector_load %arg17[%swap3A_105] {strides = array<i32>} : memref<64xf32, #tpu.memory_space<vmem>>, vector<16xf32>,
        tpu.vector_store %arg17[%swap3A_105], %add3A_104 {strides = array<i32>} : memref<64xf32, #tpu.memory_space<vmem>>, vector<16xf32>,
        %get3A_107 = arith.index_cast %scan3A_57 : i32 to index
        %get3A_108 = arith.constant 96 : index
        %get3A_109 = tpu.vector_load %arg7[%get3A_107, %get3A_108] {strides = array<i32>} : memref<128x128xf32, #tpu.memory_space<vmem>>, vector<16xf32>,
        %get3A_110 = arith.index_cast %scan3A_57 : i32 to index
        %get3A_111 = arith.constant 96 : index
        %get3A_112 = tpu.vector_load %arg8[%get3A_110, %get3A_111] {strides = array<i32>} : memref<128x128xf32, #tpu.memory_space<vmem>>, vector<16xf32>,
        %mul3A_113 = arith.mulf %get3A_109, %get3A_112 : vector<16xf32>
        %get3A_114 = arith.index_cast %scan3A_57 : i32 to index
        %get3A_115 = arith.constant 112 : index
        %get3A_116 = tpu.vector_load %arg7[%get3A_114, %get3A_115] {strides = array<i32>} : memref<128x128xf32, #tpu.memory_space<vmem>>, vector<16xf32>,
        %get3A_117 = arith.index_cast %scan3A_57 : i32 to index
        %get3A_118 = arith.constant 112 : index
        %get3A_119 = tpu.vector_load %arg8[%get3A_117, %get3A_118] {strides = array<i32>} : memref<128x128xf32, #tpu.memory_space<vmem>>, vector<16xf32>,
        %mul3A_120 = arith.mulf %get3A_116, %get3A_119 : vector<16xf32>
        %add3A_121 = arith.addf %mul3A_113, %mul3A_120 : vector<16xf32>
        %swap3A_122 = arith.constant 48 : index
        %swap3A_123 = tpu.vector_load %arg17[%swap3A_122] {strides = array<i32>} : memref<64xf32, #tpu.memory_space<vmem>>, vector<16xf32>,
        tpu.vector_store %arg17[%swap3A_122], %add3A_121 {strides = array<i32>} : memref<64xf32, #tpu.memory_space<vmem>>, vector<16xf32>,
        %and3A = arith.constant 3 : i32
        %and3A_124 = vector.broadcast %and3A : i32 to vector<16xi32>
        %and3A_125 = arith.andi %iota3A, %and3A_124 : vector<16xi32>
        %shift_right_arithmetic3A = arith.constant 2 : i32
        %shift_right_arithmetic3A_126 = vector.broadcast %shift_right_arithmetic3A : i32 to vector<16xi32>
        %shift_right_arithmetic3A_127 = arith.shrsi %iota3A, %shift_right_arithmetic3A_126 : vector<16xi32>
        %broadcast_in_dim3A = arith.constant 0.000000e+00 : f32
        %broadcast_in_dim3A_128 = vector.broadcast %broadcast_in_dim3A : f32 to vector<16xf32>
        %mul3A_129 = arith.constant 16 : i32
        %mul3A_130 = vector.broadcast %mul3A_129 : i32 to vector<16xi32>
        %mul3A_131 = arith.muli %and3A_125, %mul3A_130 : vector<16xi32>
        %mul3A_132 = arith.constant 4 : i32
        %mul3A_133 = vector.broadcast %mul3A_132 : i32 to vector<16xi32>
        %mul3A_134 = arith.muli %mul3A_133, %shift_right_arithmetic3A_127 : vector<16xi32>
        %add3A_135 = arith.addi %mul3A_131, %mul3A_134 : vector<16xi32>
        %add3A_136 = arith.constant 0 : i32
        %add3A_137 = vector.broadcast %add3A_136 : i32 to vector<16xi32>
        %add3A_138 = arith.addi %add3A_135, %add3A_137 : vector<16xi32>
        %gather3A = tpu.vector_load_idx %arg17[%add3A_138] : memref<64xf32, #tpu.memory_space<vmem>>[vector<16xi32>], vector<16xf32>,
        %add3A_139 = arith.addf %broadcast_in_dim3A_128, %gather3A : vector<16xf32>
        %mul3A_140 = arith.constant 16 : i32
        %mul3A_141 = vector.broadcast %mul3A_140 : i32 to vector<16xi32>
        %mul3A_142 = arith.muli %and3A_125, %mul3A_141 : vector<16xi32>
        %mul3A_143 = arith.constant 4 : i32
        %mul3A_144 = vector.broadcast %mul3A_143 : i32 to vector<16xi32>
        %mul3A_145 = arith.muli %mul3A_144, %shift_right_arithmetic3A_127 : vector<16xi32>
        %add3A_146 = arith.addi %mul3A_142, %mul3A_145 : vector<16xi32>
        %add3A_147 = arith.constant 1 : i32
        %add3A_148 = vector.broadcast %add3A_147 : i32 to vector<16xi32>
        %add3A_149 = arith.addi %add3A_146, %add3A_148 : vector<16xi32>
        %gather3A_150 = tpu.vector_load_idx %arg17[%add3A_149] : memref<64xf32, #tpu.memory_space<vmem>>[vector<16xi32>], vector<16xf32>,
        %add3A_151 = arith.addf %add3A_139, %gather3A_150 : vector<16xf32>
        %mul3A_152 = arith.constant 16 : i32
        %mul3A_153 = vector.broadcast %mul3A_152 : i32 to vector<16xi32>
        %mul3A_154 = arith.muli %and3A_125, %mul3A_153 : vector<16xi32>
        %mul3A_155 = arith.constant 4 : i32
        %mul3A_156 = vector.broadcast %mul3A_155 : i32 to vector<16xi32>
        %mul3A_157 = arith.muli %mul3A_156, %shift_right_arithmetic3A_127 : vector<16xi32>
        %add3A_158 = arith.addi %mul3A_154, %mul3A_157 : vector<16xi32>
        %add3A_159 = arith.constant 2 : i32
        %add3A_160 = vector.broadcast %add3A_159 : i32 to vector<16xi32>
        %add3A_161 = arith.addi %add3A_158, %add3A_160 : vector<16xi32>
        %gather3A_162 = tpu.vector_load_idx %arg17[%add3A_161] : memref<64xf32, #tpu.memory_space<vmem>>[vector<16xi32>], vector<16xf32>,
        %add3A_163 = arith.addf %add3A_151, %gather3A_162 : vector<16xf32>
        %mul3A_164 = arith.constant 16 : i32
        %mul3A_165 = vector.broadcast %mul3A_164 : i32 to vector<16xi32>
        %mul3A_166 = arith.muli %and3A_125, %mul3A_165 : vector<16xi32>
        %mul3A_167 = arith.constant 4 : i32
        %mul3A_168 = vector.broadcast %mul3A_167 : i32 to vector<16xi32>
        %mul3A_169 = arith.muli %mul3A_168, %shift_right_arithmetic3A_127 : vector<16xi32>
        %add3A_170 = arith.addi %mul3A_166, %mul3A_169 : vector<16xi32>
        %add3A_171 = arith.constant 3 : i32
        %add3A_172 = vector.broadcast %add3A_171 : i32 to vector<16xi32>
        %add3A_173 = arith.addi %add3A_170, %add3A_172 : vector<16xi32>
        %gather3A_174 = tpu.vector_load_idx %arg17[%add3A_173] : memref<64xf32, #tpu.memory_space<vmem>>[vector<16xi32>], vector<16xf32>,
        %add3A_175 = arith.addf %add3A_163, %gather3A_174 : vector<16xf32>
        %swap3A_176 = arith.constant 0 : index
        %swap3A_177 = tpu.vector_load %arg18[%swap3A_176] {strides = array<i32>} : memref<16xf32, #tpu.memory_space<vmem>>, vector<16xf32>,
        tpu.vector_store %arg18[%swap3A_176], %add3A_175 {strides = array<i32>} : memref<16xf32, #tpu.memory_space<vmem>>, vector<16xf32>,
        %broadcast_in_dim3A_178 = arith.constant 0.000000e+00 : f32
        %broadcast_in_dim3A_179 = vector.broadcast %broadcast_in_dim3A_178 : f32 to vector<16xf32>
        %add3A_180 = arith.constant 0 : i32
        %add3A_181 = vector.broadcast %add3A_180 : i32 to vector<16xi32>
        %add3A_182 = arith.addi %add3A_181, %and3A_125 : vector<16xi32>
        %gather3A_183 = tpu.vector_load_idx %arg18[%add3A_182] : memref<16xf32, #tpu.memory_space<vmem>>[vector<16xi32>], vector<16xf32>,
        %add3A_184 = arith.addf %broadcast_in_dim3A_179, %gather3A_183 : vector<16xf32>
        %add3A_185 = arith.constant 4 : i32
        %add3A_186 = vector.broadcast %add3A_185 : i32 to vector<16xi32>
        %add3A_187 = arith.addi %add3A_186, %and3A_125 : vector<16xi32>
        %gather3A_188 = tpu.vector_load_idx %arg18[%add3A_187] : memref<16xf32, #tpu.memory_space<vmem>>[vector<16xi32>], vector<16xf32>,
        %add3A_189 = arith.addf %add3A_184, %gather3A_188 : vector<16xf32>
        %add3A_190 = arith.constant 8 : i32
        %add3A_191 = vector.broadcast %add3A_190 : i32 to vector<16xi32>
        %add3A_192 = arith.addi %add3A_191, %and3A_125 : vector<16xi32>
        %gather3A_193 = tpu.vector_load_idx %arg18[%add3A_192] : memref<16xf32, #tpu.memory_space<vmem>>[vector<16xi32>], vector<16xf32>,
        %add3A_194 = arith.addf %add3A_189, %gather3A_193 : vector<16xf32>
        %add3A_195 = arith.constant 12 : i32
        %add3A_196 = vector.broadcast %add3A_195 : i32 to vector<16xi32>
        %add3A_197 = arith.addi %add3A_196, %and3A_125 : vector<16xi32>
        %gather3A_198 = tpu.vector_load_idx %arg18[%add3A_197] : memref<16xf32, #tpu.memory_space<vmem>>[vector<16xi32>], vector<16xf32>,
        %add3A_199 = arith.addf %add3A_194, %gather3A_198 : vector<16xf32>
        %lt3A = arith.constant 4 : i32
        %lt3A_200 = vector.broadcast %lt3A : i32 to vector<16xi32>
        %lt3A_201 = arith.cmpi slt, %iota3A, %lt3A_200 : vector<16xi32>
        %exp3A = math.exp %add3A_199 : vector<16xf32>
        %jit3A = arith.constant 0.000000e+00 : f32
        %broadcast_in_dim3A_202 = vector.broadcast %jit3A : f32 to vector<16xf32>
        %select_n3A = arith.select %lt3A_201, %exp3A, %broadcast_in_dim3A_202 : vector<16xi1>, vector<16xf32>
        %swap3A_203 = arith.index_cast %scan3A_57 : i32 to index
        %swap3A_204 = arith.constant 0 : index
        %swap3A_205 = tpu.vector_load %arg9[%swap3A_203, %swap3A_204] {strides = array<i32>} : memref<128x16xf32, #tpu.memory_space<vmem>>, vector<16xf32>,
        tpu.vector_store %arg9[%swap3A_203, %swap3A_204], %select_n3A {strides = array<i32>} : memref<128x16xf32, #tpu.memory_space<vmem>>, vector<16xf32>,
        %mul3A_206 = arith.constant 0 : i32
        %mul3A_207 = vector.broadcast %mul3A_206 : i32 to vector<16xi32>
        %mul3A_208 = arith.muli %iota3A, %mul3A_207 : vector<16xi32>
        %add3A_209 = vector.broadcast %scan3A_57 : i32 to vector<16xi32>
        %add3A_210 = arith.addi %mul3A_208, %add3A_209 : vector<16xi32>
        %gather3A_211 = tpu.vector_load_idx %arg11[%add3A_210] : memref<128xi32, #tpu.memory_space<vmem>>[vector<16xi32>], vector<16xi32>,
        %mul3A_212 = arith.constant 4 : i32
        %mul3A_213 = vector.broadcast %mul3A_212 : i32 to vector<16xi32>
        %mul3A_214 = arith.muli %gather3A_211, %mul3A_213 : vector<16xi32>
        %add3A_215 = arith.addi %mul3A_214, %and3A_125 : vector<16xi32>
        %lt3A_216 = arith.constant 4 : i32
        %lt3A_217 = vector.broadcast %lt3A_216 : i32 to vector<16xi32>
        %lt3A_218 = arith.cmpi slt, %iota3A, %lt3A_217 : vector<16xi32>
        tpu.vector_store_idx %arg19[%add3A_215], %select_n3A masked %lt3A_218 {add = true} : memref<40448xf32, #tpu.memory_space<vmem>>[vector<16xi32>], vector<16xf32>, vector<16xi1>
      }
      %scan3A_56 = arith.constant 128 : i32
      "tpu.region"() ({
        %run_scoped3A = tpu.sem_alloc : memref<!tpu.dma_semaphore, #tpu.memory_space<semaphore_mem>>
        %dma_start3A_57 = arith.constant 0 : i32
        %dma_start3A_58 = tpu.memref_slice %arg5[%multiple_of3A_38, %dma_start3A_57] : memref<320000x16xf32, #tpu.memory_space<hbm>> -> memref<128x16xf32, #tpu.memory_space<hbm>>
        %dma_start3A_59 = arith.constant 0 : i32
        %dma_start3A_60 = tpu.memref_slice %arg5[%multiple_of3A_38, %dma_start3A_59] : memref<320000x16xf32, #tpu.memory_space<hbm>> -> memref<128x16xf32, #tpu.memory_space<hbm>>
        tpu.enqueue_dma source(%arg9 : memref<128x16xf32, #tpu.memory_space<vmem>>) target(%dma_start3A_60 : memref<128x16xf32, #tpu.memory_space<hbm>>) target_semaphore(%run_scoped3A : memref<!tpu.dma_semaphore, #tpu.memory_space<semaphore_mem>>)
        %dma_wait3A_61 = arith.constant 0 : i32
        %dma_wait3A_62 = tpu.memref_slice %arg5[%multiple_of3A_38, %dma_wait3A_61] : memref<320000x16xf32, #tpu.memory_space<hbm>> -> memref<128x16xf32, #tpu.memory_space<hbm>>
        %dma_wait3A_63 = arith.constant 0 : i32
        %dma_wait3A_64 = tpu.memref_slice %arg5[%multiple_of3A_38, %dma_wait3A_63] : memref<320000x16xf32, #tpu.memory_space<hbm>> -> memref<128x16xf32, #tpu.memory_space<hbm>>
        tpu.wait_dma2 semaphore(%run_scoped3A : memref<!tpu.dma_semaphore, #tpu.memory_space<semaphore_mem>>) src(%arg9 : memref<128x16xf32, #tpu.memory_space<vmem>>) dst(%dma_wait3A_64 : memref<128x16xf32, #tpu.memory_space<hbm>>)
        tpu.yield
      }) : () -> ()
    }
    %scan3A_11 = arith.constant 78 : i32
    %mul3A_12 = arith.constant 10000 : i32
    %mul3A_13 = arith.muli %add3A, %mul3A_12 : i32
    %add3A_14 = arith.constant 9984 : i32
    %add3A_15 = arith.addi %mul3A_13, %add3A_14 : i32
    %multiple_of3A = tpu.assume_multiple %add3A_15, 8 : i32
    "tpu.region"() ({
      %run_scoped3A = tpu.sem_alloc : memref<!tpu.dma_semaphore, #tpu.memory_space<semaphore_mem>>
      %dma_start3A_32 = tpu.memref_slice %arg3[%multiple_of3A] : memref<320000xi32, #tpu.memory_space<hbm>> -> memref<16xi32, #tpu.memory_space<hbm>>
      %dma_start3A_33 = tpu.memref_slice %arg3[%multiple_of3A] : memref<320000xi32, #tpu.memory_space<hbm>> -> memref<16xi32, #tpu.memory_space<hbm>>
      tpu.enqueue_dma source(%dma_start3A_33 : memref<16xi32, #tpu.memory_space<hbm>>) target(%arg15 : memref<16xi32, #tpu.memory_space<vmem>>) target_semaphore(%run_scoped3A : memref<!tpu.dma_semaphore, #tpu.memory_space<semaphore_mem>>)
      %dma_wait3A_34 = tpu.memref_slice %arg3[%multiple_of3A] : memref<320000xi32, #tpu.memory_space<hbm>> -> memref<16xi32, #tpu.memory_space<hbm>>
      %dma_wait3A_35 = tpu.memref_slice %arg3[%multiple_of3A] : memref<320000xi32, #tpu.memory_space<hbm>> -> memref<16xi32, #tpu.memory_space<hbm>>
      tpu.wait_dma2 semaphore(%run_scoped3A : memref<!tpu.dma_semaphore, #tpu.memory_space<semaphore_mem>>) src(%dma_wait3A_35 : memref<16xi32, #tpu.memory_space<hbm>>) dst(%arg15 : memref<16xi32, #tpu.memory_space<vmem>>)
      tpu.yield
    }) : () -> ()
    "tpu.region"() ({
      %run_scoped3A = tpu.sem_alloc : memref<!tpu.dma_semaphore, #tpu.memory_space<semaphore_mem>>
      %dma_start3A_32 = tpu.memref_slice %arg4[%multiple_of3A] : memref<320000xi32, #tpu.memory_space<hbm>> -> memref<16xi32, #tpu.memory_space<hbm>>
      %dma_start3A_33 = tpu.memref_slice %arg4[%multiple_of3A] : memref<320000xi32, #tpu.memory_space<hbm>> -> memref<16xi32, #tpu.memory_space<hbm>>
      tpu.enqueue_dma source(%dma_start3A_33 : memref<16xi32, #tpu.memory_space<hbm>>) target(%arg16 : memref<16xi32, #tpu.memory_space<vmem>>) target_semaphore(%run_scoped3A : memref<!tpu.dma_semaphore, #tpu.memory_space<semaphore_mem>>)
      %dma_wait3A_34 = tpu.memref_slice %arg4[%multiple_of3A] : memref<320000xi32, #tpu.memory_space<hbm>> -> memref<16xi32, #tpu.memory_space<hbm>>
      %dma_wait3A_35 = tpu.memref_slice %arg4[%multiple_of3A] : memref<320000xi32, #tpu.memory_space<hbm>> -> memref<16xi32, #tpu.memory_space<hbm>>
      tpu.wait_dma2 semaphore(%run_scoped3A : memref<!tpu.dma_semaphore, #tpu.memory_space<semaphore_mem>>) src(%dma_wait3A_35 : memref<16xi32, #tpu.memory_space<hbm>>) dst(%arg16 : memref<16xi32, #tpu.memory_space<vmem>>)
      tpu.yield
    }) : () -> ()
    %dma_start3A = arith.constant 0 : i32
    %dma_start3A_16 = arith.constant 0 : i32
    %dma_start3A_17 = tpu.memref_slice %arg2[%dma_start3A, %dma_start3A_16] : memref<10000x128xf32, #tpu.memory_space<hbm>> -> memref<10000x128xf32, #tpu.memory_space<hbm>>
    tpu.enqueue_indirect_dma source(%dma_start3A_17 : memref<10000x128xf32, #tpu.memory_space<hbm>>) target(%arg12 : memref<16x128xf32, #tpu.memory_space<vmem>>) offsets(%arg15 : memref<16xi32, #tpu.memory_space<vmem>>) semaphore(%arg20 : memref<!tpu.dma_semaphore, #tpu.memory_space<semaphore_mem>>)
    %dma_wait3A = arith.constant 0 : i32
    %dma_wait3A_18 = arith.constant 0 : i32
    %dma_wait3A_19 = tpu.memref_slice %arg2[%dma_wait3A, %dma_wait3A_18] : memref<10000x128xf32, #tpu.memory_space<hbm>> -> memref<10000x128xf32, #tpu.memory_space<hbm>>
    tpu.wait_indirect_dma semaphore(%arg20 : memref<!tpu.dma_semaphore, #tpu.memory_space<semaphore_mem>>) src(%dma_wait3A_19 : memref<10000x128xf32, #tpu.memory_space<hbm>>) dst(%arg12 : memref<16x128xf32, #tpu.memory_space<vmem>>)
    %dma_start3A_20 = arith.constant 0 : i32
    %dma_start3A_21 = arith.constant 0 : i32
    %dma_start3A_22 = tpu.memref_slice %arg2[%dma_start3A_20, %dma_start3A_21] : memref<10000x128xf32, #tpu.memory_space<hbm>> -> memref<10000x128xf32, #tpu.memory_space<hbm>>
    tpu.enqueue_indirect_dma source(%dma_start3A_22 : memref<10000x128xf32, #tpu.memory_space<hbm>>) target(%arg13 : memref<16x128xf32, #tpu.memory_space<vmem>>) offsets(%arg16 : memref<16xi32, #tpu.memory_space<vmem>>) semaphore(%arg20 : memref<!tpu.dma_semaphore, #tpu.memory_space<semaphore_mem>>)
    %dma_wait3A_23 = arith.constant 0 : i32
    %dma_wait3A_24 = arith.constant 0 : i32
    %dma_wait3A_25 = tpu.memref_slice %arg2[%dma_wait3A_23, %dma_wait3A_24] : memref<10000x128xf32, #tpu.memory_space<hbm>> -> memref<10000x128xf32, #tpu.memory_space<hbm>>
    tpu.wait_indirect_dma semaphore(%arg20 : memref<!tpu.dma_semaphore, #tpu.memory_space<semaphore_mem>>) src(%dma_wait3A_25 : memref<10000x128xf32, #tpu.memory_space<hbm>>) dst(%arg13 : memref<16x128xf32, #tpu.memory_space<vmem>>)
    %scan3A_26 = arith.constant 0 : i32
    %scan3A_27 = arith.constant 0 : i32
    %scan3A_28 = arith.constant 16 : i32
    %scan3A_29 = arith.addi %scan3A_27, %scan3A_28 : i32
    %scan3A_30 = arith.constant 1 : i32
    scf.for %scan3A_32 = %scan3A_27 to %scan3A_29 step %scan3A_30  : i32 {
      %iota3A = tpu.iota {dimensions = array<i32: 0>} : vector<16xi32>
      %get3A = arith.index_cast %scan3A_32 : i32 to index
      %get3A_33 = arith.constant 0 : index
      %get3A_34 = tpu.vector_load %arg12[%get3A, %get3A_33] {strides = array<i32>} : memref<16x128xf32, #tpu.memory_space<vmem>>, vector<16xf32>,
      %get3A_35 = arith.index_cast %scan3A_32 : i32 to index
      %get3A_36 = arith.constant 0 : index
      %get3A_37 = tpu.vector_load %arg13[%get3A_35, %get3A_36] {strides = array<i32>} : memref<16x128xf32, #tpu.memory_space<vmem>>, vector<16xf32>,
      %mul3A_38 = arith.mulf %get3A_34, %get3A_37 : vector<16xf32>
      %get3A_39 = arith.index_cast %scan3A_32 : i32 to index
      %get3A_40 = arith.constant 16 : index
      %get3A_41 = tpu.vector_load %arg12[%get3A_39, %get3A_40] {strides = array<i32>} : memref<16x128xf32, #tpu.memory_space<vmem>>, vector<16xf32>,
      %get3A_42 = arith.index_cast %scan3A_32 : i32 to index
      %get3A_43 = arith.constant 16 : index
      %get3A_44 = tpu.vector_load %arg13[%get3A_42, %get3A_43] {strides = array<i32>} : memref<16x128xf32, #tpu.memory_space<vmem>>, vector<16xf32>,
      %mul3A_45 = arith.mulf %get3A_41, %get3A_44 : vector<16xf32>
      %add3A_46 = arith.addf %mul3A_38, %mul3A_45 : vector<16xf32>
      %swap3A = arith.constant 0 : index
      %swap3A_47 = tpu.vector_load %arg17[%swap3A] {strides = array<i32>} : memref<64xf32, #tpu.memory_space<vmem>>, vector<16xf32>,
      tpu.vector_store %arg17[%swap3A], %add3A_46 {strides = array<i32>} : memref<64xf32, #tpu.memory_space<vmem>>, vector<16xf32>,
      %get3A_48 = arith.index_cast %scan3A_32 : i32 to index
      %get3A_49 = arith.constant 32 : index
      %get3A_50 = tpu.vector_load %arg12[%get3A_48, %get3A_49] {strides = array<i32>} : memref<16x128xf32, #tpu.memory_space<vmem>>, vector<16xf32>,
      %get3A_51 = arith.index_cast %scan3A_32 : i32 to index
      %get3A_52 = arith.constant 32 : index
      %get3A_53 = tpu.vector_load %arg13[%get3A_51, %get3A_52] {strides = array<i32>} : memref<16x128xf32, #tpu.memory_space<vmem>>, vector<16xf32>,
      %mul3A_54 = arith.mulf %get3A_50, %get3A_53 : vector<16xf32>
      %get3A_55 = arith.index_cast %scan3A_32 : i32 to index
      %get3A_56 = arith.constant 48 : index
      %get3A_57 = tpu.vector_load %arg12[%get3A_55, %get3A_56] {strides = array<i32>} : memref<16x128xf32, #tpu.memory_space<vmem>>, vector<16xf32>,
      %get3A_58 = arith.index_cast %scan3A_32 : i32 to index
      %get3A_59 = arith.constant 48 : index
      %get3A_60 = tpu.vector_load %arg13[%get3A_58, %get3A_59] {strides = array<i32>} : memref<16x128xf32, #tpu.memory_space<vmem>>, vector<16xf32>,
      %mul3A_61 = arith.mulf %get3A_57, %get3A_60 : vector<16xf32>
      %add3A_62 = arith.addf %mul3A_54, %mul3A_61 : vector<16xf32>
      %swap3A_63 = arith.constant 16 : index
      %swap3A_64 = tpu.vector_load %arg17[%swap3A_63] {strides = array<i32>} : memref<64xf32, #tpu.memory_space<vmem>>, vector<16xf32>,
      tpu.vector_store %arg17[%swap3A_63], %add3A_62 {strides = array<i32>} : memref<64xf32, #tpu.memory_space<vmem>>, vector<16xf32>,
      %get3A_65 = arith.index_cast %scan3A_32 : i32 to index
      %get3A_66 = arith.constant 64 : index
      %get3A_67 = tpu.vector_load %arg12[%get3A_65, %get3A_66] {strides = array<i32>} : memref<16x128xf32, #tpu.memory_space<vmem>>, vector<16xf32>,
      %get3A_68 = arith.index_cast %scan3A_32 : i32 to index
      %get3A_69 = arith.constant 64 : index
      %get3A_70 = tpu.vector_load %arg13[%get3A_68, %get3A_69] {strides = array<i32>} : memref<16x128xf32, #tpu.memory_space<vmem>>, vector<16xf32>,
      %mul3A_71 = arith.mulf %get3A_67, %get3A_70 : vector<16xf32>
      %get3A_72 = arith.index_cast %scan3A_32 : i32 to index
      %get3A_73 = arith.constant 80 : index
      %get3A_74 = tpu.vector_load %arg12[%get3A_72, %get3A_73] {strides = array<i32>} : memref<16x128xf32, #tpu.memory_space<vmem>>, vector<16xf32>,
      %get3A_75 = arith.index_cast %scan3A_32 : i32 to index
      %get3A_76 = arith.constant 80 : index
      %get3A_77 = tpu.vector_load %arg13[%get3A_75, %get3A_76] {strides = array<i32>} : memref<16x128xf32, #tpu.memory_space<vmem>>, vector<16xf32>,
      %mul3A_78 = arith.mulf %get3A_74, %get3A_77 : vector<16xf32>
      %add3A_79 = arith.addf %mul3A_71, %mul3A_78 : vector<16xf32>
      %swap3A_80 = arith.constant 32 : index
      %swap3A_81 = tpu.vector_load %arg17[%swap3A_80] {strides = array<i32>} : memref<64xf32, #tpu.memory_space<vmem>>, vector<16xf32>,
      tpu.vector_store %arg17[%swap3A_80], %add3A_79 {strides = array<i32>} : memref<64xf32, #tpu.memory_space<vmem>>, vector<16xf32>,
      %get3A_82 = arith.index_cast %scan3A_32 : i32 to index
      %get3A_83 = arith.constant 96 : index
      %get3A_84 = tpu.vector_load %arg12[%get3A_82, %get3A_83] {strides = array<i32>} : memref<16x128xf32, #tpu.memory_space<vmem>>, vector<16xf32>,
      %get3A_85 = arith.index_cast %scan3A_32 : i32 to index
      %get3A_86 = arith.constant 96 : index
      %get3A_87 = tpu.vector_load %arg13[%get3A_85, %get3A_86] {strides = array<i32>} : memref<16x128xf32, #tpu.memory_space<vmem>>, vector<16xf32>,
      %mul3A_88 = arith.mulf %get3A_84, %get3A_87 : vector<16xf32>
      %get3A_89 = arith.index_cast %scan3A_32 : i32 to index
      %get3A_90 = arith.constant 112 : index
      %get3A_91 = tpu.vector_load %arg12[%get3A_89, %get3A_90] {strides = array<i32>} : memref<16x128xf32, #tpu.memory_space<vmem>>, vector<16xf32>,
      %get3A_92 = arith.index_cast %scan3A_32 : i32 to index
      %get3A_93 = arith.constant 112 : index
      %get3A_94 = tpu.vector_load %arg13[%get3A_92, %get3A_93] {strides = array<i32>} : memref<16x128xf32, #tpu.memory_space<vmem>>, vector<16xf32>,
      %mul3A_95 = arith.mulf %get3A_91, %get3A_94 : vector<16xf32>
      %add3A_96 = arith.addf %mul3A_88, %mul3A_95 : vector<16xf32>
      %swap3A_97 = arith.constant 48 : index
      %swap3A_98 = tpu.vector_load %arg17[%swap3A_97] {strides = array<i32>} : memref<64xf32, #tpu.memory_space<vmem>>, vector<16xf32>,
      tpu.vector_store %arg17[%swap3A_97], %add3A_96 {strides = array<i32>} : memref<64xf32, #tpu.memory_space<vmem>>, vector<16xf32>,
      %and3A = arith.constant 3 : i32
      %and3A_99 = vector.broadcast %and3A : i32 to vector<16xi32>
      %and3A_100 = arith.andi %iota3A, %and3A_99 : vector<16xi32>
      %shift_right_arithmetic3A = arith.constant 2 : i32
      %shift_right_arithmetic3A_101 = vector.broadcast %shift_right_arithmetic3A : i32 to vector<16xi32>
      %shift_right_arithmetic3A_102 = arith.shrsi %iota3A, %shift_right_arithmetic3A_101 : vector<16xi32>
      %broadcast_in_dim3A = arith.constant 0.000000e+00 : f32
      %broadcast_in_dim3A_103 = vector.broadcast %broadcast_in_dim3A : f32 to vector<16xf32>
      %mul3A_104 = arith.constant 16 : i32
      %mul3A_105 = vector.broadcast %mul3A_104 : i32 to vector<16xi32>
      %mul3A_106 = arith.muli %and3A_100, %mul3A_105 : vector<16xi32>
      %mul3A_107 = arith.constant 4 : i32
      %mul3A_108 = vector.broadcast %mul3A_107 : i32 to vector<16xi32>
      %mul3A_109 = arith.muli %mul3A_108, %shift_right_arithmetic3A_102 : vector<16xi32>
      %add3A_110 = arith.addi %mul3A_106, %mul3A_109 : vector<16xi32>
      %add3A_111 = arith.constant 0 : i32
      %add3A_112 = vector.broadcast %add3A_111 : i32 to vector<16xi32>
      %add3A_113 = arith.addi %add3A_110, %add3A_112 : vector<16xi32>
      %gather3A = tpu.vector_load_idx %arg17[%add3A_113] : memref<64xf32, #tpu.memory_space<vmem>>[vector<16xi32>], vector<16xf32>,
      %add3A_114 = arith.addf %broadcast_in_dim3A_103, %gather3A : vector<16xf32>
      %mul3A_115 = arith.constant 16 : i32
      %mul3A_116 = vector.broadcast %mul3A_115 : i32 to vector<16xi32>
      %mul3A_117 = arith.muli %and3A_100, %mul3A_116 : vector<16xi32>
      %mul3A_118 = arith.constant 4 : i32
      %mul3A_119 = vector.broadcast %mul3A_118 : i32 to vector<16xi32>
      %mul3A_120 = arith.muli %mul3A_119, %shift_right_arithmetic3A_102 : vector<16xi32>
      %add3A_121 = arith.addi %mul3A_117, %mul3A_120 : vector<16xi32>
      %add3A_122 = arith.constant 1 : i32
      %add3A_123 = vector.broadcast %add3A_122 : i32 to vector<16xi32>
      %add3A_124 = arith.addi %add3A_121, %add3A_123 : vector<16xi32>
      %gather3A_125 = tpu.vector_load_idx %arg17[%add3A_124] : memref<64xf32, #tpu.memory_space<vmem>>[vector<16xi32>], vector<16xf32>,
      %add3A_126 = arith.addf %add3A_114, %gather3A_125 : vector<16xf32>
      %mul3A_127 = arith.constant 16 : i32
      %mul3A_128 = vector.broadcast %mul3A_127 : i32 to vector<16xi32>
      %mul3A_129 = arith.muli %and3A_100, %mul3A_128 : vector<16xi32>
      %mul3A_130 = arith.constant 4 : i32
      %mul3A_131 = vector.broadcast %mul3A_130 : i32 to vector<16xi32>
      %mul3A_132 = arith.muli %mul3A_131, %shift_right_arithmetic3A_102 : vector<16xi32>
      %add3A_133 = arith.addi %mul3A_129, %mul3A_132 : vector<16xi32>
      %add3A_134 = arith.constant 2 : i32
      %add3A_135 = vector.broadcast %add3A_134 : i32 to vector<16xi32>
      %add3A_136 = arith.addi %add3A_133, %add3A_135 : vector<16xi32>
      %gather3A_137 = tpu.vector_load_idx %arg17[%add3A_136] : memref<64xf32, #tpu.memory_space<vmem>>[vector<16xi32>], vector<16xf32>,
      %add3A_138 = arith.addf %add3A_126, %gather3A_137 : vector<16xf32>
      %mul3A_139 = arith.constant 16 : i32
      %mul3A_140 = vector.broadcast %mul3A_139 : i32 to vector<16xi32>
      %mul3A_141 = arith.muli %and3A_100, %mul3A_140 : vector<16xi32>
      %mul3A_142 = arith.constant 4 : i32
      %mul3A_143 = vector.broadcast %mul3A_142 : i32 to vector<16xi32>
      %mul3A_144 = arith.muli %mul3A_143, %shift_right_arithmetic3A_102 : vector<16xi32>
      %add3A_145 = arith.addi %mul3A_141, %mul3A_144 : vector<16xi32>
      %add3A_146 = arith.constant 3 : i32
      %add3A_147 = vector.broadcast %add3A_146 : i32 to vector<16xi32>
      %add3A_148 = arith.addi %add3A_145, %add3A_147 : vector<16xi32>
      %gather3A_149 = tpu.vector_load_idx %arg17[%add3A_148] : memref<64xf32, #tpu.memory_space<vmem>>[vector<16xi32>], vector<16xf32>,
      %add3A_150 = arith.addf %add3A_138, %gather3A_149 : vector<16xf32>
      %swap3A_151 = arith.constant 0 : index
      %swap3A_152 = tpu.vector_load %arg18[%swap3A_151] {strides = array<i32>} : memref<16xf32, #tpu.memory_space<vmem>>, vector<16xf32>,
      tpu.vector_store %arg18[%swap3A_151], %add3A_150 {strides = array<i32>} : memref<16xf32, #tpu.memory_space<vmem>>, vector<16xf32>,
      %broadcast_in_dim3A_153 = arith.constant 0.000000e+00 : f32
      %broadcast_in_dim3A_154 = vector.broadcast %broadcast_in_dim3A_153 : f32 to vector<16xf32>
      %add3A_155 = arith.constant 0 : i32
      %add3A_156 = vector.broadcast %add3A_155 : i32 to vector<16xi32>
      %add3A_157 = arith.addi %add3A_156, %and3A_100 : vector<16xi32>
      %gather3A_158 = tpu.vector_load_idx %arg18[%add3A_157] : memref<16xf32, #tpu.memory_space<vmem>>[vector<16xi32>], vector<16xf32>,
      %add3A_159 = arith.addf %broadcast_in_dim3A_154, %gather3A_158 : vector<16xf32>
      %add3A_160 = arith.constant 4 : i32
      %add3A_161 = vector.broadcast %add3A_160 : i32 to vector<16xi32>
      %add3A_162 = arith.addi %add3A_161, %and3A_100 : vector<16xi32>
      %gather3A_163 = tpu.vector_load_idx %arg18[%add3A_162] : memref<16xf32, #tpu.memory_space<vmem>>[vector<16xi32>], vector<16xf32>,
      %add3A_164 = arith.addf %add3A_159, %gather3A_163 : vector<16xf32>
      %add3A_165 = arith.constant 8 : i32
      %add3A_166 = vector.broadcast %add3A_165 : i32 to vector<16xi32>
      %add3A_167 = arith.addi %add3A_166, %and3A_100 : vector<16xi32>
      %gather3A_168 = tpu.vector_load_idx %arg18[%add3A_167] : memref<16xf32, #tpu.memory_space<vmem>>[vector<16xi32>], vector<16xf32>,
      %add3A_169 = arith.addf %add3A_164, %gather3A_168 : vector<16xf32>
      %add3A_170 = arith.constant 12 : i32
      %add3A_171 = vector.broadcast %add3A_170 : i32 to vector<16xi32>
      %add3A_172 = arith.addi %add3A_171, %and3A_100 : vector<16xi32>
      %gather3A_173 = tpu.vector_load_idx %arg18[%add3A_172] : memref<16xf32, #tpu.memory_space<vmem>>[vector<16xi32>], vector<16xf32>,
      %add3A_174 = arith.addf %add3A_169, %gather3A_173 : vector<16xf32>
      %lt3A = arith.constant 4 : i32
      %lt3A_175 = vector.broadcast %lt3A : i32 to vector<16xi32>
      %lt3A_176 = arith.cmpi slt, %iota3A, %lt3A_175 : vector<16xi32>
      %exp3A = math.exp %add3A_174 : vector<16xf32>
      %jit3A = arith.constant 0.000000e+00 : f32
      %broadcast_in_dim3A_177 = vector.broadcast %jit3A : f32 to vector<16xf32>
      %select_n3A = arith.select %lt3A_176, %exp3A, %broadcast_in_dim3A_177 : vector<16xi1>, vector<16xf32>
      %swap3A_178 = arith.index_cast %scan3A_32 : i32 to index
      %swap3A_179 = arith.constant 0 : index
      %swap3A_180 = tpu.vector_load %arg14[%swap3A_178, %swap3A_179] {strides = array<i32>} : memref<16x16xf32, #tpu.memory_space<vmem>>, vector<16xf32>,
      tpu.vector_store %arg14[%swap3A_178, %swap3A_179], %select_n3A {strides = array<i32>} : memref<16x16xf32, #tpu.memory_space<vmem>>, vector<16xf32>,
      %mul3A_181 = arith.constant 0 : i32
      %mul3A_182 = vector.broadcast %mul3A_181 : i32 to vector<16xi32>
      %mul3A_183 = arith.muli %iota3A, %mul3A_182 : vector<16xi32>
      %add3A_184 = vector.broadcast %scan3A_32 : i32 to vector<16xi32>
      %add3A_185 = arith.addi %mul3A_183, %add3A_184 : vector<16xi32>
      %gather3A_186 = tpu.vector_load_idx %arg16[%add3A_185] : memref<16xi32, #tpu.memory_space<vmem>>[vector<16xi32>], vector<16xi32>,
      %mul3A_187 = arith.constant 4 : i32
      %mul3A_188 = vector.broadcast %mul3A_187 : i32 to vector<16xi32>
      %mul3A_189 = arith.muli %gather3A_186, %mul3A_188 : vector<16xi32>
      %add3A_190 = arith.addi %mul3A_189, %and3A_100 : vector<16xi32>
      %lt3A_191 = arith.constant 4 : i32
      %lt3A_192 = vector.broadcast %lt3A_191 : i32 to vector<16xi32>
      %lt3A_193 = arith.cmpi slt, %iota3A, %lt3A_192 : vector<16xi32>
      tpu.vector_store_idx %arg19[%add3A_190], %select_n3A masked %lt3A_193 {add = true} : memref<40448xf32, #tpu.memory_space<vmem>>[vector<16xi32>], vector<16xf32>, vector<16xi1>
    }
    %scan3A_31 = arith.constant 16 : i32
    "tpu.region"() ({
      %run_scoped3A = tpu.sem_alloc : memref<!tpu.dma_semaphore, #tpu.memory_space<semaphore_mem>>
      %dma_start3A_32 = arith.constant 0 : i32
      %dma_start3A_33 = tpu.memref_slice %arg5[%multiple_of3A, %dma_start3A_32] : memref<320000x16xf32, #tpu.memory_space<hbm>> -> memref<16x16xf32, #tpu.memory_space<hbm>>
      %dma_start3A_34 = arith.constant 0 : i32
      %dma_start3A_35 = tpu.memref_slice %arg5[%multiple_of3A, %dma_start3A_34] : memref<320000x16xf32, #tpu.memory_space<hbm>> -> memref<16x16xf32, #tpu.memory_space<hbm>>
      tpu.enqueue_dma source(%arg14 : memref<16x16xf32, #tpu.memory_space<vmem>>) target(%dma_start3A_35 : memref<16x16xf32, #tpu.memory_space<hbm>>) target_semaphore(%run_scoped3A : memref<!tpu.dma_semaphore, #tpu.memory_space<semaphore_mem>>)
      %dma_wait3A_36 = arith.constant 0 : i32
      %dma_wait3A_37 = tpu.memref_slice %arg5[%multiple_of3A, %dma_wait3A_36] : memref<320000x16xf32, #tpu.memory_space<hbm>> -> memref<16x16xf32, #tpu.memory_space<hbm>>
      %dma_wait3A_38 = arith.constant 0 : i32
      %dma_wait3A_39 = tpu.memref_slice %arg5[%multiple_of3A, %dma_wait3A_38] : memref<320000x16xf32, #tpu.memory_space<hbm>> -> memref<16x16xf32, #tpu.memory_space<hbm>>
      tpu.wait_dma2 semaphore(%run_scoped3A : memref<!tpu.dma_semaphore, #tpu.memory_space<semaphore_mem>>) src(%arg14 : memref<16x16xf32, #tpu.memory_space<vmem>>) dst(%dma_wait3A_39 : memref<16x16xf32, #tpu.memory_space<hbm>>)
      tpu.yield
    }) : () -> ()
    "tpu.region"() ({
      %run_scoped3A = tpu.sem_alloc : memref<!tpu.dma_semaphore, #tpu.memory_space<semaphore_mem>>
      %dma_start3A_32 = arith.constant 0 : i32
      %dma_start3A_33 = tpu.memref_slice %arg6[%add3A, %dma_start3A_32] : memref<32x40448xf32, #tpu.memory_space<hbm>> -> memref<1x40448xf32, #tpu.memory_space<hbm>>
      %dma_start3A_34 = tpu.memref_squeeze %dma_start3A_33 : memref<1x40448xf32, #tpu.memory_space<hbm>> -> memref<40448xf32, #tpu.memory_space<hbm>>
      %dma_start3A_35 = arith.constant 0 : i32
      %dma_start3A_36 = tpu.memref_slice %arg6[%add3A, %dma_start3A_35] : memref<32x40448xf32, #tpu.memory_space<hbm>> -> memref<1x40448xf32, #tpu.memory_space<hbm>>
      %dma_start3A_37 = tpu.memref_squeeze %dma_start3A_36 : memref<1x40448xf32, #tpu.memory_space<hbm>> -> memref<40448xf32, #tpu.memory_space<hbm>>
      tpu.enqueue_dma source(%arg19 : memref<40448xf32, #tpu.memory_space<vmem>>) target(%dma_start3A_37 : memref<40448xf32, #tpu.memory_space<hbm>>) target_semaphore(%run_scoped3A : memref<!tpu.dma_semaphore, #tpu.memory_space<semaphore_mem>>)
      %dma_wait3A_38 = arith.constant 0 : i32
      %dma_wait3A_39 = tpu.memref_slice %arg6[%add3A, %dma_wait3A_38] : memref<32x40448xf32, #tpu.memory_space<hbm>> -> memref<1x40448xf32, #tpu.memory_space<hbm>>
      %dma_wait3A_40 = tpu.memref_squeeze %dma_wait3A_39 : memref<1x40448xf32, #tpu.memory_space<hbm>> -> memref<40448xf32, #tpu.memory_space<hbm>>
      %dma_wait3A_41 = arith.constant 0 : i32
      %dma_wait3A_42 = tpu.memref_slice %arg6[%add3A, %dma_wait3A_41] : memref<32x40448xf32, #tpu.memory_space<hbm>> -> memref<1x40448xf32, #tpu.memory_space<hbm>>
      %dma_wait3A_43 = tpu.memref_squeeze %dma_wait3A_42 : memref<1x40448xf32, #tpu.memory_space<hbm>> -> memref<40448xf32, #tpu.memory_space<hbm>>
      tpu.wait_dma2 semaphore(%run_scoped3A : memref<!tpu.dma_semaphore, #tpu.memory_space<semaphore_mem>>) src(%arg19 : memref<40448xf32, #tpu.memory_space<vmem>>) dst(%dma_wait3A_43 : memref<40448xf32, #tpu.memory_space<hbm>>)
      tpu.yield
    }) : () -> ()
    return
  }
}

#map = affine_map<(d0, d1) -> (0, 0)>
#map1 = affine_map<(d0, d1) -> (0)>
#map2 = affine_map<(d0, d1) -> (0, 0, 0)>
module attributes {stable_mosaic.version = 14 : i64} {
  func.func @_pass_b_kernel(%arg0: i32, %arg1: i32, %arg2: memref<10000x128xf32, #tpu.memory_space<hbm>>, %arg3: memref<320000xi32, #tpu.memory_space<hbm>>, %arg4: memref<320000xi32, #tpu.memory_space<hbm>>, %arg5: memref<320000x16xf32, #tpu.memory_space<hbm>>, %arg6: memref<2x10112x128xf32, #tpu.memory_space<hbm>>, %arg7: memref<128x128xf32, #tpu.memory_space<vmem>>, %arg8: memref<128x16xf32, #tpu.memory_space<vmem>>, %arg9: memref<128xi32, #tpu.memory_space<vmem>>, %arg10: memref<128xi32, #tpu.memory_space<vmem>>, %arg11: memref<16x128xf32, #tpu.memory_space<vmem>>, %arg12: memref<16x16xf32, #tpu.memory_space<vmem>>, %arg13: memref<16xi32, #tpu.memory_space<vmem>>, %arg14: memref<16xi32, #tpu.memory_space<vmem>>, %arg15: memref<16xf32, #tpu.memory_space<vmem>>, %arg16: memref<10112x128xf32, #tpu.memory_space<vmem_shared>>, %arg17: memref<!tpu.dma_semaphore, #tpu.memory_space<semaphore_mem>>) attributes {dimension_semantics = [#tpu.dimension_semantics<core_parallel>, #tpu.dimension_semantics<subcore_parallel>], iteration_bounds = array<i64: 2, 16>, scalar_prefetch = 0 : i64, scratch_operands = 11 : i64, tpu.core_type = #tpu.core_type<sc_vector_subcore>, window_params = [{transform_indices = #map}, {transform_indices = #map1}, {transform_indices = #map1}, {transform_indices = #map}, {transform_indices = #map2}]} {
    %mul3A = arith.constant 16 : i32
    %mul3A_0 = arith.muli %arg0, %mul3A : i32
    %add3A = arith.addi %mul3A_0, %arg1 : i32
    %scan3A = arith.constant 0 : i32
    %scan3A_1 = arith.constant 0 : i32
    %scan3A_2 = arith.constant 128 : i32
    %scan3A_3 = arith.addi %scan3A_1, %scan3A_2 : i32
    %scan3A_4 = arith.constant 1 : i32
    scf.for %scan3A_39 = %scan3A_1 to %scan3A_3 step %scan3A_4  : i32 {
      %broadcast_in_dim3A = arith.constant 0.000000e+00 : f32
      %broadcast_in_dim3A_40 = vector.broadcast %broadcast_in_dim3A : f32 to vector<16xf32>
      %swap3A = arith.index_cast %scan3A_39 : i32 to index
      %swap3A_41 = arith.constant 0 : index
      %swap3A_42 = tpu.vector_load %arg7[%swap3A, %swap3A_41] {strides = array<i32>} : memref<128x128xf32, #tpu.memory_space<vmem>>, vector<16xf32>,
      tpu.vector_store %arg7[%swap3A, %swap3A_41], %broadcast_in_dim3A_40 {strides = array<i32>} : memref<128x128xf32, #tpu.memory_space<vmem>>, vector<16xf32>,
      %broadcast_in_dim3A_43 = arith.constant 0.000000e+00 : f32
      %broadcast_in_dim3A_44 = vector.broadcast %broadcast_in_dim3A_43 : f32 to vector<16xf32>
      %swap3A_45 = arith.index_cast %scan3A_39 : i32 to index
      %swap3A_46 = arith.constant 16 : index
      %swap3A_47 = tpu.vector_load %arg7[%swap3A_45, %swap3A_46] {strides = array<i32>} : memref<128x128xf32, #tpu.memory_space<vmem>>, vector<16xf32>,
      tpu.vector_store %arg7[%swap3A_45, %swap3A_46], %broadcast_in_dim3A_44 {strides = array<i32>} : memref<128x128xf32, #tpu.memory_space<vmem>>, vector<16xf32>,
      %broadcast_in_dim3A_48 = arith.constant 0.000000e+00 : f32
      %broadcast_in_dim3A_49 = vector.broadcast %broadcast_in_dim3A_48 : f32 to vector<16xf32>
      %swap3A_50 = arith.index_cast %scan3A_39 : i32 to index
      %swap3A_51 = arith.constant 32 : index
      %swap3A_52 = tpu.vector_load %arg7[%swap3A_50, %swap3A_51] {strides = array<i32>} : memref<128x128xf32, #tpu.memory_space<vmem>>, vector<16xf32>,
      tpu.vector_store %arg7[%swap3A_50, %swap3A_51], %broadcast_in_dim3A_49 {strides = array<i32>} : memref<128x128xf32, #tpu.memory_space<vmem>>, vector<16xf32>,
      %broadcast_in_dim3A_53 = arith.constant 0.000000e+00 : f32
      %broadcast_in_dim3A_54 = vector.broadcast %broadcast_in_dim3A_53 : f32 to vector<16xf32>
      %swap3A_55 = arith.index_cast %scan3A_39 : i32 to index
      %swap3A_56 = arith.constant 48 : index
      %swap3A_57 = tpu.vector_load %arg7[%swap3A_55, %swap3A_56] {strides = array<i32>} : memref<128x128xf32, #tpu.memory_space<vmem>>, vector<16xf32>,
      tpu.vector_store %arg7[%swap3A_55, %swap3A_56], %broadcast_in_dim3A_54 {strides = array<i32>} : memref<128x128xf32, #tpu.memory_space<vmem>>, vector<16xf32>,
      %broadcast_in_dim3A_58 = arith.constant 0.000000e+00 : f32
      %broadcast_in_dim3A_59 = vector.broadcast %broadcast_in_dim3A_58 : f32 to vector<16xf32>
      %swap3A_60 = arith.index_cast %scan3A_39 : i32 to index
      %swap3A_61 = arith.constant 64 : index
      %swap3A_62 = tpu.vector_load %arg7[%swap3A_60, %swap3A_61] {strides = array<i32>} : memref<128x128xf32, #tpu.memory_space<vmem>>, vector<16xf32>,
      tpu.vector_store %arg7[%swap3A_60, %swap3A_61], %broadcast_in_dim3A_59 {strides = array<i32>} : memref<128x128xf32, #tpu.memory_space<vmem>>, vector<16xf32>,
      %broadcast_in_dim3A_63 = arith.constant 0.000000e+00 : f32
      %broadcast_in_dim3A_64 = vector.broadcast %broadcast_in_dim3A_63 : f32 to vector<16xf32>
      %swap3A_65 = arith.index_cast %scan3A_39 : i32 to index
      %swap3A_66 = arith.constant 80 : index
      %swap3A_67 = tpu.vector_load %arg7[%swap3A_65, %swap3A_66] {strides = array<i32>} : memref<128x128xf32, #tpu.memory_space<vmem>>, vector<16xf32>,
      tpu.vector_store %arg7[%swap3A_65, %swap3A_66], %broadcast_in_dim3A_64 {strides = array<i32>} : memref<128x128xf32, #tpu.memory_space<vmem>>, vector<16xf32>,
      %broadcast_in_dim3A_68 = arith.constant 0.000000e+00 : f32
      %broadcast_in_dim3A_69 = vector.broadcast %broadcast_in_dim3A_68 : f32 to vector<16xf32>
      %swap3A_70 = arith.index_cast %scan3A_39 : i32 to index
      %swap3A_71 = arith.constant 96 : index
      %swap3A_72 = tpu.vector_load %arg7[%swap3A_70, %swap3A_71] {strides = array<i32>} : memref<128x128xf32, #tpu.memory_space<vmem>>, vector<16xf32>,
      tpu.vector_store %arg7[%swap3A_70, %swap3A_71], %broadcast_in_dim3A_69 {strides = array<i32>} : memref<128x128xf32, #tpu.memory_space<vmem>>, vector<16xf32>,
      %broadcast_in_dim3A_73 = arith.constant 0.000000e+00 : f32
      %broadcast_in_dim3A_74 = vector.broadcast %broadcast_in_dim3A_73 : f32 to vector<16xf32>
      %swap3A_75 = arith.index_cast %scan3A_39 : i32 to index
      %swap3A_76 = arith.constant 112 : index
      %swap3A_77 = tpu.vector_load %arg7[%swap3A_75, %swap3A_76] {strides = array<i32>} : memref<128x128xf32, #tpu.memory_space<vmem>>, vector<16xf32>,
      tpu.vector_store %arg7[%swap3A_75, %swap3A_76], %broadcast_in_dim3A_74 {strides = array<i32>} : memref<128x128xf32, #tpu.memory_space<vmem>>, vector<16xf32>,
    }
    %scan3A_5 = arith.constant 128 : i32
    %mul3A_6 = arith.constant 632 : i32
    %mul3A_7 = arith.muli %arg1, %mul3A_6 : i32
    %add3A_8 = arith.constant 0 : i32
    %add3A_9 = arith.addi %mul3A_7, %add3A_8 : i32
    "tpu.region"() ({
      %run_scoped3A = tpu.sem_alloc : memref<!tpu.dma_semaphore, #tpu.memory_space<semaphore_mem>>
      %dma_start3A_39 = arith.constant 0 : i32
      %dma_start3A_40 = arith.constant 0 : i32
      %dma_start3A_41 = tpu.memref_slice %arg7[%dma_start3A_39, %dma_start3A_40] : memref<128x128xf32, #tpu.memory_space<vmem>> -> memref<128x128xf32, #tpu.memory_space<vmem>>
      %dma_start3A_42 = arith.constant 0 : i32
      %dma_start3A_43 = tpu.memref_slice %arg16[%add3A_9, %dma_start3A_42] : memref<10112x128xf32, #tpu.memory_space<vmem_shared>> -> memref<128x128xf32, #tpu.memory_space<vmem_shared>>
      %dma_start3A_44 = arith.constant 0 : i32
      %dma_start3A_45 = tpu.memref_slice %arg16[%add3A_9, %dma_start3A_44] : memref<10112x128xf32, #tpu.memory_space<vmem_shared>> -> memref<128x128xf32, #tpu.memory_space<vmem_shared>>
      %dma_start3A_46 = arith.constant 0 : i32
      %dma_start3A_47 = arith.constant 0 : i32
      %dma_start3A_48 = tpu.memref_slice %arg7[%dma_start3A_46, %dma_start3A_47] : memref<128x128xf32, #tpu.memory_space<vmem>> -> memref<128x128xf32, #tpu.memory_space<vmem>>
      tpu.enqueue_dma source(%dma_start3A_48 : memref<128x128xf32, #tpu.memory_space<vmem>>) target(%dma_start3A_45 : memref<128x128xf32, #tpu.memory_space<vmem_shared>>) target_semaphore(%run_scoped3A : memref<!tpu.dma_semaphore, #tpu.memory_space<semaphore_mem>>)
      %dma_wait3A_49 = arith.constant 0 : i32
      %dma_wait3A_50 = arith.constant 0 : i32
      %dma_wait3A_51 = tpu.memref_slice %arg7[%dma_wait3A_49, %dma_wait3A_50] : memref<128x128xf32, #tpu.memory_space<vmem>> -> memref<128x128xf32, #tpu.memory_space<vmem>>
      %dma_wait3A_52 = arith.constant 0 : i32
      %dma_wait3A_53 = tpu.memref_slice %arg16[%add3A_9, %dma_wait3A_52] : memref<10112x128xf32, #tpu.memory_space<vmem_shared>> -> memref<128x128xf32, #tpu.memory_space<vmem_shared>>
      %dma_wait3A_54 = arith.constant 0 : i32
      %dma_wait3A_55 = tpu.memref_slice %arg16[%add3A_9, %dma_wait3A_54] : memref<10112x128xf32, #tpu.memory_space<vmem_shared>> -> memref<128x128xf32, #tpu.memory_space<vmem_shared>>
      %dma_wait3A_56 = arith.constant 0 : i32
      %dma_wait3A_57 = arith.constant 0 : i32
      %dma_wait3A_58 = tpu.memref_slice %arg7[%dma_wait3A_56, %dma_wait3A_57] : memref<128x128xf32, #tpu.memory_space<vmem>> -> memref<128x128xf32, #tpu.memory_space<vmem>>
      tpu.wait_dma2 semaphore(%run_scoped3A : memref<!tpu.dma_semaphore, #tpu.memory_space<semaphore_mem>>) src(%dma_wait3A_58 : memref<128x128xf32, #tpu.memory_space<vmem>>) dst(%dma_wait3A_55 : memref<128x128xf32, #tpu.memory_space<vmem_shared>>)
      tpu.yield
    }) : () -> ()
    %add3A_10 = arith.constant 128 : i32
    %add3A_11 = arith.addi %mul3A_7, %add3A_10 : i32
    "tpu.region"() ({
      %run_scoped3A = tpu.sem_alloc : memref<!tpu.dma_semaphore, #tpu.memory_space<semaphore_mem>>
      %dma_start3A_39 = arith.constant 0 : i32
      %dma_start3A_40 = arith.constant 0 : i32
      %dma_start3A_41 = tpu.memref_slice %arg7[%dma_start3A_39, %dma_start3A_40] : memref<128x128xf32, #tpu.memory_space<vmem>> -> memref<128x128xf32, #tpu.memory_space<vmem>>
      %dma_start3A_42 = arith.constant 0 : i32
      %dma_start3A_43 = tpu.memref_slice %arg16[%add3A_11, %dma_start3A_42] : memref<10112x128xf32, #tpu.memory_space<vmem_shared>> -> memref<128x128xf32, #tpu.memory_space<vmem_shared>>
      %dma_start3A_44 = arith.constant 0 : i32
      %dma_start3A_45 = tpu.memref_slice %arg16[%add3A_11, %dma_start3A_44] : memref<10112x128xf32, #tpu.memory_space<vmem_shared>> -> memref<128x128xf32, #tpu.memory_space<vmem_shared>>
      %dma_start3A_46 = arith.constant 0 : i32
      %dma_start3A_47 = arith.constant 0 : i32
      %dma_start3A_48 = tpu.memref_slice %arg7[%dma_start3A_46, %dma_start3A_47] : memref<128x128xf32, #tpu.memory_space<vmem>> -> memref<128x128xf32, #tpu.memory_space<vmem>>
      tpu.enqueue_dma source(%dma_start3A_48 : memref<128x128xf32, #tpu.memory_space<vmem>>) target(%dma_start3A_45 : memref<128x128xf32, #tpu.memory_space<vmem_shared>>) target_semaphore(%run_scoped3A : memref<!tpu.dma_semaphore, #tpu.memory_space<semaphore_mem>>)
      %dma_wait3A_49 = arith.constant 0 : i32
      %dma_wait3A_50 = arith.constant 0 : i32
      %dma_wait3A_51 = tpu.memref_slice %arg7[%dma_wait3A_49, %dma_wait3A_50] : memref<128x128xf32, #tpu.memory_space<vmem>> -> memref<128x128xf32, #tpu.memory_space<vmem>>
      %dma_wait3A_52 = arith.constant 0 : i32
      %dma_wait3A_53 = tpu.memref_slice %arg16[%add3A_11, %dma_wait3A_52] : memref<10112x128xf32, #tpu.memory_space<vmem_shared>> -> memref<128x128xf32, #tpu.memory_space<vmem_shared>>
      %dma_wait3A_54 = arith.constant 0 : i32
      %dma_wait3A_55 = tpu.memref_slice %arg16[%add3A_11, %dma_wait3A_54] : memref<10112x128xf32, #tpu.memory_space<vmem_shared>> -> memref<128x128xf32, #tpu.memory_space<vmem_shared>>
      %dma_wait3A_56 = arith.constant 0 : i32
      %dma_wait3A_57 = arith.constant 0 : i32
      %dma_wait3A_58 = tpu.memref_slice %arg7[%dma_wait3A_56, %dma_wait3A_57] : memref<128x128xf32, #tpu.memory_space<vmem>> -> memref<128x128xf32, #tpu.memory_space<vmem>>
      tpu.wait_dma2 semaphore(%run_scoped3A : memref<!tpu.dma_semaphore, #tpu.memory_space<semaphore_mem>>) src(%dma_wait3A_58 : memref<128x128xf32, #tpu.memory_space<vmem>>) dst(%dma_wait3A_55 : memref<128x128xf32, #tpu.memory_space<vmem_shared>>)
      tpu.yield
    }) : () -> ()
    %add3A_12 = arith.constant 256 : i32
    %add3A_13 = arith.addi %mul3A_7, %add3A_12 : i32
    "tpu.region"() ({
      %run_scoped3A = tpu.sem_alloc : memref<!tpu.dma_semaphore, #tpu.memory_space<semaphore_mem>>
      %dma_start3A_39 = arith.constant 0 : i32
      %dma_start3A_40 = arith.constant 0 : i32
      %dma_start3A_41 = tpu.memref_slice %arg7[%dma_start3A_39, %dma_start3A_40] : memref<128x128xf32, #tpu.memory_space<vmem>> -> memref<128x128xf32, #tpu.memory_space<vmem>>
      %dma_start3A_42 = arith.constant 0 : i32
      %dma_start3A_43 = tpu.memref_slice %arg16[%add3A_13, %dma_start3A_42] : memref<10112x128xf32, #tpu.memory_space<vmem_shared>> -> memref<128x128xf32, #tpu.memory_space<vmem_shared>>
      %dma_start3A_44 = arith.constant 0 : i32
      %dma_start3A_45 = tpu.memref_slice %arg16[%add3A_13, %dma_start3A_44] : memref<10112x128xf32, #tpu.memory_space<vmem_shared>> -> memref<128x128xf32, #tpu.memory_space<vmem_shared>>
      %dma_start3A_46 = arith.constant 0 : i32
      %dma_start3A_47 = arith.constant 0 : i32
      %dma_start3A_48 = tpu.memref_slice %arg7[%dma_start3A_46, %dma_start3A_47] : memref<128x128xf32, #tpu.memory_space<vmem>> -> memref<128x128xf32, #tpu.memory_space<vmem>>
      tpu.enqueue_dma source(%dma_start3A_48 : memref<128x128xf32, #tpu.memory_space<vmem>>) target(%dma_start3A_45 : memref<128x128xf32, #tpu.memory_space<vmem_shared>>) target_semaphore(%run_scoped3A : memref<!tpu.dma_semaphore, #tpu.memory_space<semaphore_mem>>)
      %dma_wait3A_49 = arith.constant 0 : i32
      %dma_wait3A_50 = arith.constant 0 : i32
      %dma_wait3A_51 = tpu.memref_slice %arg7[%dma_wait3A_49, %dma_wait3A_50] : memref<128x128xf32, #tpu.memory_space<vmem>> -> memref<128x128xf32, #tpu.memory_space<vmem>>
      %dma_wait3A_52 = arith.constant 0 : i32
      %dma_wait3A_53 = tpu.memref_slice %arg16[%add3A_13, %dma_wait3A_52] : memref<10112x128xf32, #tpu.memory_space<vmem_shared>> -> memref<128x128xf32, #tpu.memory_space<vmem_shared>>
      %dma_wait3A_54 = arith.constant 0 : i32
      %dma_wait3A_55 = tpu.memref_slice %arg16[%add3A_13, %dma_wait3A_54] : memref<10112x128xf32, #tpu.memory_space<vmem_shared>> -> memref<128x128xf32, #tpu.memory_space<vmem_shared>>
      %dma_wait3A_56 = arith.constant 0 : i32
      %dma_wait3A_57 = arith.constant 0 : i32
      %dma_wait3A_58 = tpu.memref_slice %arg7[%dma_wait3A_56, %dma_wait3A_57] : memref<128x128xf32, #tpu.memory_space<vmem>> -> memref<128x128xf32, #tpu.memory_space<vmem>>
      tpu.wait_dma2 semaphore(%run_scoped3A : memref<!tpu.dma_semaphore, #tpu.memory_space<semaphore_mem>>) src(%dma_wait3A_58 : memref<128x128xf32, #tpu.memory_space<vmem>>) dst(%dma_wait3A_55 : memref<128x128xf32, #tpu.memory_space<vmem_shared>>)
      tpu.yield
    }) : () -> ()
    %add3A_14 = arith.constant 384 : i32
    %add3A_15 = arith.addi %mul3A_7, %add3A_14 : i32
    "tpu.region"() ({
      %run_scoped3A = tpu.sem_alloc : memref<!tpu.dma_semaphore, #tpu.memory_space<semaphore_mem>>
      %dma_start3A_39 = arith.constant 0 : i32
      %dma_start3A_40 = arith.constant 0 : i32
      %dma_start3A_41 = tpu.memref_slice %arg7[%dma_start3A_39, %dma_start3A_40] : memref<128x128xf32, #tpu.memory_space<vmem>> -> memref<128x128xf32, #tpu.memory_space<vmem>>
      %dma_start3A_42 = arith.constant 0 : i32
      %dma_start3A_43 = tpu.memref_slice %arg16[%add3A_15, %dma_start3A_42] : memref<10112x128xf32, #tpu.memory_space<vmem_shared>> -> memref<128x128xf32, #tpu.memory_space<vmem_shared>>
      %dma_start3A_44 = arith.constant 0 : i32
      %dma_start3A_45 = tpu.memref_slice %arg16[%add3A_15, %dma_start3A_44] : memref<10112x128xf32, #tpu.memory_space<vmem_shared>> -> memref<128x128xf32, #tpu.memory_space<vmem_shared>>
      %dma_start3A_46 = arith.constant 0 : i32
      %dma_start3A_47 = arith.constant 0 : i32
      %dma_start3A_48 = tpu.memref_slice %arg7[%dma_start3A_46, %dma_start3A_47] : memref<128x128xf32, #tpu.memory_space<vmem>> -> memref<128x128xf32, #tpu.memory_space<vmem>>
      tpu.enqueue_dma source(%dma_start3A_48 : memref<128x128xf32, #tpu.memory_space<vmem>>) target(%dma_start3A_45 : memref<128x128xf32, #tpu.memory_space<vmem_shared>>) target_semaphore(%run_scoped3A : memref<!tpu.dma_semaphore, #tpu.memory_space<semaphore_mem>>)
      %dma_wait3A_49 = arith.constant 0 : i32
      %dma_wait3A_50 = arith.constant 0 : i32
      %dma_wait3A_51 = tpu.memref_slice %arg7[%dma_wait3A_49, %dma_wait3A_50] : memref<128x128xf32, #tpu.memory_space<vmem>> -> memref<128x128xf32, #tpu.memory_space<vmem>>
      %dma_wait3A_52 = arith.constant 0 : i32
      %dma_wait3A_53 = tpu.memref_slice %arg16[%add3A_15, %dma_wait3A_52] : memref<10112x128xf32, #tpu.memory_space<vmem_shared>> -> memref<128x128xf32, #tpu.memory_space<vmem_shared>>
      %dma_wait3A_54 = arith.constant 0 : i32
      %dma_wait3A_55 = tpu.memref_slice %arg16[%add3A_15, %dma_wait3A_54] : memref<10112x128xf32, #tpu.memory_space<vmem_shared>> -> memref<128x128xf32, #tpu.memory_space<vmem_shared>>
      %dma_wait3A_56 = arith.constant 0 : i32
      %dma_wait3A_57 = arith.constant 0 : i32
      %dma_wait3A_58 = tpu.memref_slice %arg7[%dma_wait3A_56, %dma_wait3A_57] : memref<128x128xf32, #tpu.memory_space<vmem>> -> memref<128x128xf32, #tpu.memory_space<vmem>>
      tpu.wait_dma2 semaphore(%run_scoped3A : memref<!tpu.dma_semaphore, #tpu.memory_space<semaphore_mem>>) src(%dma_wait3A_58 : memref<128x128xf32, #tpu.memory_space<vmem>>) dst(%dma_wait3A_55 : memref<128x128xf32, #tpu.memory_space<vmem_shared>>)
      tpu.yield
    }) : () -> ()
    %add3A_16 = arith.constant 512 : i32
    %add3A_17 = arith.addi %mul3A_7, %add3A_16 : i32
    "tpu.region"() ({
      %run_scoped3A = tpu.sem_alloc : memref<!tpu.dma_semaphore, #tpu.memory_space<semaphore_mem>>
      %dma_start3A_39 = arith.constant 0 : i32
      %dma_start3A_40 = arith.constant 0 : i32
      %dma_start3A_41 = tpu.memref_slice %arg7[%dma_start3A_39, %dma_start3A_40] : memref<128x128xf32, #tpu.memory_space<vmem>> -> memref<120x128xf32, #tpu.memory_space<vmem>>
      %dma_start3A_42 = arith.constant 0 : i32
      %dma_start3A_43 = tpu.memref_slice %arg16[%add3A_17, %dma_start3A_42] : memref<10112x128xf32, #tpu.memory_space<vmem_shared>> -> memref<120x128xf32, #tpu.memory_space<vmem_shared>>
      %dma_start3A_44 = arith.constant 0 : i32
      %dma_start3A_45 = tpu.memref_slice %arg16[%add3A_17, %dma_start3A_44] : memref<10112x128xf32, #tpu.memory_space<vmem_shared>> -> memref<120x128xf32, #tpu.memory_space<vmem_shared>>
      %dma_start3A_46 = arith.constant 0 : i32
      %dma_start3A_47 = arith.constant 0 : i32
      %dma_start3A_48 = tpu.memref_slice %arg7[%dma_start3A_46, %dma_start3A_47] : memref<128x128xf32, #tpu.memory_space<vmem>> -> memref<120x128xf32, #tpu.memory_space<vmem>>
      tpu.enqueue_dma source(%dma_start3A_48 : memref<120x128xf32, #tpu.memory_space<vmem>>) target(%dma_start3A_45 : memref<120x128xf32, #tpu.memory_space<vmem_shared>>) target_semaphore(%run_scoped3A : memref<!tpu.dma_semaphore, #tpu.memory_space<semaphore_mem>>)
      %dma_wait3A_49 = arith.constant 0 : i32
      %dma_wait3A_50 = arith.constant 0 : i32
      %dma_wait3A_51 = tpu.memref_slice %arg7[%dma_wait3A_49, %dma_wait3A_50] : memref<128x128xf32, #tpu.memory_space<vmem>> -> memref<120x128xf32, #tpu.memory_space<vmem>>
      %dma_wait3A_52 = arith.constant 0 : i32
      %dma_wait3A_53 = tpu.memref_slice %arg16[%add3A_17, %dma_wait3A_52] : memref<10112x128xf32, #tpu.memory_space<vmem_shared>> -> memref<120x128xf32, #tpu.memory_space<vmem_shared>>
      %dma_wait3A_54 = arith.constant 0 : i32
      %dma_wait3A_55 = tpu.memref_slice %arg16[%add3A_17, %dma_wait3A_54] : memref<10112x128xf32, #tpu.memory_space<vmem_shared>> -> memref<120x128xf32, #tpu.memory_space<vmem_shared>>
      %dma_wait3A_56 = arith.constant 0 : i32
      %dma_wait3A_57 = arith.constant 0 : i32
      %dma_wait3A_58 = tpu.memref_slice %arg7[%dma_wait3A_56, %dma_wait3A_57] : memref<128x128xf32, #tpu.memory_space<vmem>> -> memref<120x128xf32, #tpu.memory_space<vmem>>
      tpu.wait_dma2 semaphore(%run_scoped3A : memref<!tpu.dma_semaphore, #tpu.memory_space<semaphore_mem>>) src(%dma_wait3A_58 : memref<120x128xf32, #tpu.memory_space<vmem>>) dst(%dma_wait3A_55 : memref<120x128xf32, #tpu.memory_space<vmem_shared>>)
      tpu.yield
    }) : () -> ()
    %barrier3A = arith.constant 0 : index
    tpu.barrier barrier_id(%barrier3A)
    %scan3A_18 = arith.constant 0 : i32
    %scan3A_19 = arith.constant 0 : i32
    %scan3A_20 = arith.constant 78 : i32
    %scan3A_21 = arith.addi %scan3A_19, %scan3A_20 : i32
    %scan3A_22 = arith.constant 1 : i32
    scf.for %scan3A_39 = %scan3A_19 to %scan3A_21 step %scan3A_22  : i32 {
      %mul3A_40 = arith.constant 10000 : i32
      %mul3A_41 = arith.muli %add3A, %mul3A_40 : i32
      %mul3A_42 = arith.constant 128 : i32
      %mul3A_43 = arith.muli %scan3A_39, %mul3A_42 : i32
      %add3A_44 = arith.addi %mul3A_41, %mul3A_43 : i32
      %multiple_of3A_45 = tpu.assume_multiple %add3A_44, 8 : i32
      "tpu.region"() ({
        %run_scoped3A = tpu.sem_alloc : memref<!tpu.dma_semaphore, #tpu.memory_space<semaphore_mem>>
        %dma_start3A_58 = tpu.memref_slice %arg3[%multiple_of3A_45] : memref<320000xi32, #tpu.memory_space<hbm>> -> memref<128xi32, #tpu.memory_space<hbm>>
        %dma_start3A_59 = tpu.memref_slice %arg3[%multiple_of3A_45] : memref<320000xi32, #tpu.memory_space<hbm>> -> memref<128xi32, #tpu.memory_space<hbm>>
        tpu.enqueue_dma source(%dma_start3A_59 : memref<128xi32, #tpu.memory_space<hbm>>) target(%arg9 : memref<128xi32, #tpu.memory_space<vmem>>) target_semaphore(%run_scoped3A : memref<!tpu.dma_semaphore, #tpu.memory_space<semaphore_mem>>)
        %dma_wait3A_60 = tpu.memref_slice %arg3[%multiple_of3A_45] : memref<320000xi32, #tpu.memory_space<hbm>> -> memref<128xi32, #tpu.memory_space<hbm>>
        %dma_wait3A_61 = tpu.memref_slice %arg3[%multiple_of3A_45] : memref<320000xi32, #tpu.memory_space<hbm>> -> memref<128xi32, #tpu.memory_space<hbm>>
        tpu.wait_dma2 semaphore(%run_scoped3A : memref<!tpu.dma_semaphore, #tpu.memory_space<semaphore_mem>>) src(%dma_wait3A_61 : memref<128xi32, #tpu.memory_space<hbm>>) dst(%arg9 : memref<128xi32, #tpu.memory_space<vmem>>)
        tpu.yield
      }) : () -> ()
      "tpu.region"() ({
        %run_scoped3A = tpu.sem_alloc : memref<!tpu.dma_semaphore, #tpu.memory_space<semaphore_mem>>
        %dma_start3A_58 = tpu.memref_slice %arg4[%multiple_of3A_45] : memref<320000xi32, #tpu.memory_space<hbm>> -> memref<128xi32, #tpu.memory_space<hbm>>
        %dma_start3A_59 = tpu.memref_slice %arg4[%multiple_of3A_45] : memref<320000xi32, #tpu.memory_space<hbm>> -> memref<128xi32, #tpu.memory_space<hbm>>
        tpu.enqueue_dma source(%dma_start3A_59 : memref<128xi32, #tpu.memory_space<hbm>>) target(%arg10 : memref<128xi32, #tpu.memory_space<vmem>>) target_semaphore(%run_scoped3A : memref<!tpu.dma_semaphore, #tpu.memory_space<semaphore_mem>>)
        %dma_wait3A_60 = tpu.memref_slice %arg4[%multiple_of3A_45] : memref<320000xi32, #tpu.memory_space<hbm>> -> memref<128xi32, #tpu.memory_space<hbm>>
        %dma_wait3A_61 = tpu.memref_slice %arg4[%multiple_of3A_45] : memref<320000xi32, #tpu.memory_space<hbm>> -> memref<128xi32, #tpu.memory_space<hbm>>
        tpu.wait_dma2 semaphore(%run_scoped3A : memref<!tpu.dma_semaphore, #tpu.memory_space<semaphore_mem>>) src(%dma_wait3A_61 : memref<128xi32, #tpu.memory_space<hbm>>) dst(%arg10 : memref<128xi32, #tpu.memory_space<vmem>>)
        tpu.yield
      }) : () -> ()
      %dma_start3A_46 = arith.constant 0 : i32
      %dma_start3A_47 = arith.constant 0 : i32
      %dma_start3A_48 = tpu.memref_slice %arg2[%dma_start3A_46, %dma_start3A_47] : memref<10000x128xf32, #tpu.memory_space<hbm>> -> memref<10000x128xf32, #tpu.memory_space<hbm>>
      tpu.enqueue_indirect_dma source(%dma_start3A_48 : memref<10000x128xf32, #tpu.memory_space<hbm>>) target(%arg7 : memref<128x128xf32, #tpu.memory_space<vmem>>) offsets(%arg9 : memref<128xi32, #tpu.memory_space<vmem>>) semaphore(%arg17 : memref<!tpu.dma_semaphore, #tpu.memory_space<semaphore_mem>>)
      %dma_wait3A_49 = arith.constant 0 : i32
      %dma_wait3A_50 = arith.constant 0 : i32
      %dma_wait3A_51 = tpu.memref_slice %arg2[%dma_wait3A_49, %dma_wait3A_50] : memref<10000x128xf32, #tpu.memory_space<hbm>> -> memref<10000x128xf32, #tpu.memory_space<hbm>>
      tpu.wait_indirect_dma semaphore(%arg17 : memref<!tpu.dma_semaphore, #tpu.memory_space<semaphore_mem>>) src(%dma_wait3A_51 : memref<10000x128xf32, #tpu.memory_space<hbm>>) dst(%arg7 : memref<128x128xf32, #tpu.memory_space<vmem>>)
      "tpu.region"() ({
        %run_scoped3A = tpu.sem_alloc : memref<!tpu.dma_semaphore, #tpu.memory_space<semaphore_mem>>
        %dma_start3A_58 = arith.constant 0 : i32
        %dma_start3A_59 = tpu.memref_slice %arg5[%multiple_of3A_45, %dma_start3A_58] : memref<320000x16xf32, #tpu.memory_space<hbm>> -> memref<128x16xf32, #tpu.memory_space<hbm>>
        %dma_start3A_60 = arith.constant 0 : i32
        %dma_start3A_61 = tpu.memref_slice %arg5[%multiple_of3A_45, %dma_start3A_60] : memref<320000x16xf32, #tpu.memory_space<hbm>> -> memref<128x16xf32, #tpu.memory_space<hbm>>
        tpu.enqueue_dma source(%dma_start3A_61 : memref<128x16xf32, #tpu.memory_space<hbm>>) target(%arg8 : memref<128x16xf32, #tpu.memory_space<vmem>>) target_semaphore(%run_scoped3A : memref<!tpu.dma_semaphore, #tpu.memory_space<semaphore_mem>>)
        %dma_wait3A_62 = arith.constant 0 : i32
        %dma_wait3A_63 = tpu.memref_slice %arg5[%multiple_of3A_45, %dma_wait3A_62] : memref<320000x16xf32, #tpu.memory_space<hbm>> -> memref<128x16xf32, #tpu.memory_space<hbm>>
        %dma_wait3A_64 = arith.constant 0 : i32
        %dma_wait3A_65 = tpu.memref_slice %arg5[%multiple_of3A_45, %dma_wait3A_64] : memref<320000x16xf32, #tpu.memory_space<hbm>> -> memref<128x16xf32, #tpu.memory_space<hbm>>
        tpu.wait_dma2 semaphore(%run_scoped3A : memref<!tpu.dma_semaphore, #tpu.memory_space<semaphore_mem>>) src(%dma_wait3A_65 : memref<128x16xf32, #tpu.memory_space<hbm>>) dst(%arg8 : memref<128x16xf32, #tpu.memory_space<vmem>>)
        tpu.yield
      }) : () -> ()
      %scan3A_52 = arith.constant 0 : i32
      %scan3A_53 = arith.constant 0 : i32
      %scan3A_54 = arith.constant 128 : i32
      %scan3A_55 = arith.addi %scan3A_53, %scan3A_54 : i32
      %scan3A_56 = arith.constant 1 : i32
      scf.for %scan3A_58 = %scan3A_53 to %scan3A_55 step %scan3A_56  : i32 {
        %iota3A = tpu.iota {dimensions = array<i32: 0>} : vector<16xi32>
        %get3A = arith.index_cast %scan3A_58 : i32 to index
        %get3A_59 = arith.constant 0 : index
        %get3A_60 = tpu.vector_load %arg8[%get3A, %get3A_59] {strides = array<i32>} : memref<128x16xf32, #tpu.memory_space<vmem>>, vector<16xf32>,
        %swap3A = arith.constant 0 : index
        %swap3A_61 = tpu.vector_load %arg15[%swap3A] {strides = array<i32>} : memref<16xf32, #tpu.memory_space<vmem>>, vector<16xf32>,
        tpu.vector_store %arg15[%swap3A], %get3A_60 {strides = array<i32>} : memref<16xf32, #tpu.memory_space<vmem>>, vector<16xf32>,
        %mul3A_62 = arith.constant 0 : i32
        %mul3A_63 = vector.broadcast %mul3A_62 : i32 to vector<16xi32>
        %mul3A_64 = arith.muli %iota3A, %mul3A_63 : vector<16xi32>
        %add3A_65 = arith.constant 0 : i32
        %add3A_66 = vector.broadcast %add3A_65 : i32 to vector<16xi32>
        %add3A_67 = arith.addi %mul3A_64, %add3A_66 : vector<16xi32>
        %gather3A = tpu.vector_load_idx %arg15[%add3A_67] : memref<16xf32, #tpu.memory_space<vmem>>[vector<16xi32>], vector<16xf32>,
        %get3A_68 = arith.index_cast %scan3A_58 : i32 to index
        %get3A_69 = arith.constant 0 : index
        %get3A_70 = tpu.vector_load %arg7[%get3A_68, %get3A_69] {strides = array<i32>} : memref<128x128xf32, #tpu.memory_space<vmem>>, vector<16xf32>,
        %mul3A_71 = arith.mulf %get3A_70, %gather3A : vector<16xf32>
        %swap3A_72 = arith.index_cast %scan3A_58 : i32 to index
        %swap3A_73 = arith.constant 0 : index
        %swap3A_74 = tpu.vector_load %arg7[%swap3A_72, %swap3A_73] {strides = array<i32>} : memref<128x128xf32, #tpu.memory_space<vmem>>, vector<16xf32>,
        tpu.vector_store %arg7[%swap3A_72, %swap3A_73], %mul3A_71 {strides = array<i32>} : memref<128x128xf32, #tpu.memory_space<vmem>>, vector<16xf32>,
        %get3A_75 = arith.index_cast %scan3A_58 : i32 to index
        %get3A_76 = arith.constant 16 : index
        %get3A_77 = tpu.vector_load %arg7[%get3A_75, %get3A_76] {strides = array<i32>} : memref<128x128xf32, #tpu.memory_space<vmem>>, vector<16xf32>,
        %mul3A_78 = arith.mulf %get3A_77, %gather3A : vector<16xf32>
        %swap3A_79 = arith.index_cast %scan3A_58 : i32 to index
        %swap3A_80 = arith.constant 16 : index
        %swap3A_81 = tpu.vector_load %arg7[%swap3A_79, %swap3A_80] {strides = array<i32>} : memref<128x128xf32, #tpu.memory_space<vmem>>, vector<16xf32>,
        tpu.vector_store %arg7[%swap3A_79, %swap3A_80], %mul3A_78 {strides = array<i32>} : memref<128x128xf32, #tpu.memory_space<vmem>>, vector<16xf32>,
        %add3A_82 = arith.constant 1 : i32
        %add3A_83 = vector.broadcast %add3A_82 : i32 to vector<16xi32>
        %add3A_84 = arith.addi %mul3A_64, %add3A_83 : vector<16xi32>
        %gather3A_85 = tpu.vector_load_idx %arg15[%add3A_84] : memref<16xf32, #tpu.memory_space<vmem>>[vector<16xi32>], vector<16xf32>,
        %get3A_86 = arith.index_cast %scan3A_58 : i32 to index
        %get3A_87 = arith.constant 32 : index
        %get3A_88 = tpu.vector_load %arg7[%get3A_86, %get3A_87] {strides = array<i32>} : memref<128x128xf32, #tpu.memory_space<vmem>>, vector<16xf32>,
        %mul3A_89 = arith.mulf %get3A_88, %gather3A_85 : vector<16xf32>
        %swap3A_90 = arith.index_cast %scan3A_58 : i32 to index
        %swap3A_91 = arith.constant 32 : index
        %swap3A_92 = tpu.vector_load %arg7[%swap3A_90, %swap3A_91] {strides = array<i32>} : memref<128x128xf32, #tpu.memory_space<vmem>>, vector<16xf32>,
        tpu.vector_store %arg7[%swap3A_90, %swap3A_91], %mul3A_89 {strides = array<i32>} : memref<128x128xf32, #tpu.memory_space<vmem>>, vector<16xf32>,
        %get3A_93 = arith.index_cast %scan3A_58 : i32 to index
        %get3A_94 = arith.constant 48 : index
        %get3A_95 = tpu.vector_load %arg7[%get3A_93, %get3A_94] {strides = array<i32>} : memref<128x128xf32, #tpu.memory_space<vmem>>, vector<16xf32>,
        %mul3A_96 = arith.mulf %get3A_95, %gather3A_85 : vector<16xf32>
        %swap3A_97 = arith.index_cast %scan3A_58 : i32 to index
        %swap3A_98 = arith.constant 48 : index
        %swap3A_99 = tpu.vector_load %arg7[%swap3A_97, %swap3A_98] {strides = array<i32>} : memref<128x128xf32, #tpu.memory_space<vmem>>, vector<16xf32>,
        tpu.vector_store %arg7[%swap3A_97, %swap3A_98], %mul3A_96 {strides = array<i32>} : memref<128x128xf32, #tpu.memory_space<vmem>>, vector<16xf32>,
        %add3A_100 = arith.constant 2 : i32
        %add3A_101 = vector.broadcast %add3A_100 : i32 to vector<16xi32>
        %add3A_102 = arith.addi %mul3A_64, %add3A_101 : vector<16xi32>
        %gather3A_103 = tpu.vector_load_idx %arg15[%add3A_102] : memref<16xf32, #tpu.memory_space<vmem>>[vector<16xi32>], vector<16xf32>,
        %get3A_104 = arith.index_cast %scan3A_58 : i32 to index
        %get3A_105 = arith.constant 64 : index
        %get3A_106 = tpu.vector_load %arg7[%get3A_104, %get3A_105] {strides = array<i32>} : memref<128x128xf32, #tpu.memory_space<vmem>>, vector<16xf32>,
        %mul3A_107 = arith.mulf %get3A_106, %gather3A_103 : vector<16xf32>
        %swap3A_108 = arith.index_cast %scan3A_58 : i32 to index
        %swap3A_109 = arith.constant 64 : index
        %swap3A_110 = tpu.vector_load %arg7[%swap3A_108, %swap3A_109] {strides = array<i32>} : memref<128x128xf32, #tpu.memory_space<vmem>>, vector<16xf32>,
        tpu.vector_store %arg7[%swap3A_108, %swap3A_109], %mul3A_107 {strides = array<i32>} : memref<128x128xf32, #tpu.memory_space<vmem>>, vector<16xf32>,
        %get3A_111 = arith.index_cast %scan3A_58 : i32 to index
        %get3A_112 = arith.constant 80 : index
        %get3A_113 = tpu.vector_load %arg7[%get3A_111, %get3A_112] {strides = array<i32>} : memref<128x128xf32, #tpu.memory_space<vmem>>, vector<16xf32>,
        %mul3A_114 = arith.mulf %get3A_113, %gather3A_103 : vector<16xf32>
        %swap3A_115 = arith.index_cast %scan3A_58 : i32 to index
        %swap3A_116 = arith.constant 80 : index
        %swap3A_117 = tpu.vector_load %arg7[%swap3A_115, %swap3A_116] {strides = array<i32>} : memref<128x128xf32, #tpu.memory_space<vmem>>, vector<16xf32>,
        tpu.vector_store %arg7[%swap3A_115, %swap3A_116], %mul3A_114 {strides = array<i32>} : memref<128x128xf32, #tpu.memory_space<vmem>>, vector<16xf32>,
        %add3A_118 = arith.constant 3 : i32
        %add3A_119 = vector.broadcast %add3A_118 : i32 to vector<16xi32>
        %add3A_120 = arith.addi %mul3A_64, %add3A_119 : vector<16xi32>
        %gather3A_121 = tpu.vector_load_idx %arg15[%add3A_120] : memref<16xf32, #tpu.memory_space<vmem>>[vector<16xi32>], vector<16xf32>,
        %get3A_122 = arith.index_cast %scan3A_58 : i32 to index
        %get3A_123 = arith.constant 96 : index
        %get3A_124 = tpu.vector_load %arg7[%get3A_122, %get3A_123] {strides = array<i32>} : memref<128x128xf32, #tpu.memory_space<vmem>>, vector<16xf32>,
        %mul3A_125 = arith.mulf %get3A_124, %gather3A_121 : vector<16xf32>
        %swap3A_126 = arith.index_cast %scan3A_58 : i32 to index
        %swap3A_127 = arith.constant 96 : index
        %swap3A_128 = tpu.vector_load %arg7[%swap3A_126, %swap3A_127] {strides = array<i32>} : memref<128x128xf32, #tpu.memory_space<vmem>>, vector<16xf32>,
        tpu.vector_store %arg7[%swap3A_126, %swap3A_127], %mul3A_125 {strides = array<i32>} : memref<128x128xf32, #tpu.memory_space<vmem>>, vector<16xf32>,
        %get3A_129 = arith.index_cast %scan3A_58 : i32 to index
        %get3A_130 = arith.constant 112 : index
        %get3A_131 = tpu.vector_load %arg7[%get3A_129, %get3A_130] {strides = array<i32>} : memref<128x128xf32, #tpu.memory_space<vmem>>, vector<16xf32>,
        %mul3A_132 = arith.mulf %get3A_131, %gather3A_121 : vector<16xf32>
        %swap3A_133 = arith.index_cast %scan3A_58 : i32 to index
        %swap3A_134 = arith.constant 112 : index
        %swap3A_135 = tpu.vector_load %arg7[%swap3A_133, %swap3A_134] {strides = array<i32>} : memref<128x128xf32, #tpu.memory_space<vmem>>, vector<16xf32>,
        tpu.vector_store %arg7[%swap3A_133, %swap3A_134], %mul3A_132 {strides = array<i32>} : memref<128x128xf32, #tpu.memory_space<vmem>>, vector<16xf32>,
      }
      %scan3A_57 = arith.constant 128 : i32
      "tpu.region"() ({
        %run_scoped3A = tpu.sem_alloc : memref<!tpu.dma_semaphore, #tpu.memory_space<semaphore_mem>>
        %dma_start3A_58 = arith.constant 0 : i32
        %dma_start3A_59 = arith.constant 0 : i32
        %dma_start3A_60 = tpu.memref_slice %arg16[%dma_start3A_58, %dma_start3A_59] : memref<10112x128xf32, #tpu.memory_space<vmem_shared>> -> memref<10112x128xf32, #tpu.memory_space<vmem_shared>>
        tpu.enqueue_indirect_dma source(%arg7 : memref<128x128xf32, #tpu.memory_space<vmem>>) target(%dma_start3A_60 : memref<10112x128xf32, #tpu.memory_space<vmem_shared>>) offsets(%arg10 : memref<128xi32, #tpu.memory_space<vmem>>) semaphore(%run_scoped3A : memref<!tpu.dma_semaphore, #tpu.memory_space<semaphore_mem>>) {add = true}
        %dma_wait3A_61 = arith.constant 0 : i32
        %dma_wait3A_62 = arith.constant 0 : i32
        %dma_wait3A_63 = tpu.memref_slice %arg16[%dma_wait3A_61, %dma_wait3A_62] : memref<10112x128xf32, #tpu.memory_space<vmem_shared>> -> memref<10112x128xf32, #tpu.memory_space<vmem_shared>>
        tpu.wait_indirect_dma semaphore(%run_scoped3A : memref<!tpu.dma_semaphore, #tpu.memory_space<semaphore_mem>>) src(%arg7 : memref<128x128xf32, #tpu.memory_space<vmem>>) dst(%dma_wait3A_63 : memref<10112x128xf32, #tpu.memory_space<vmem_shared>>)
        tpu.yield
      }) : () -> ()
    }
    %scan3A_23 = arith.constant 78 : i32
    %mul3A_24 = arith.constant 10000 : i32
    %mul3A_25 = arith.muli %add3A, %mul3A_24 : i32
    %add3A_26 = arith.constant 9984 : i32
    %add3A_27 = arith.addi %mul3A_25, %add3A_26 : i32
    %multiple_of3A = tpu.assume_multiple %add3A_27, 8 : i32
    "tpu.region"() ({
      %run_scoped3A = tpu.sem_alloc : memref<!tpu.dma_semaphore, #tpu.memory_space<semaphore_mem>>
      %dma_start3A_39 = tpu.memref_slice %arg3[%multiple_of3A] : memref<320000xi32, #tpu.memory_space<hbm>> -> memref<16xi32, #tpu.memory_space<hbm>>
      %dma_start3A_40 = tpu.memref_slice %arg3[%multiple_of3A] : memref<320000xi32, #tpu.memory_space<hbm>> -> memref<16xi32, #tpu.memory_space<hbm>>
      tpu.enqueue_dma source(%dma_start3A_40 : memref<16xi32, #tpu.memory_space<hbm>>) target(%arg13 : memref<16xi32, #tpu.memory_space<vmem>>) target_semaphore(%run_scoped3A : memref<!tpu.dma_semaphore, #tpu.memory_space<semaphore_mem>>)
      %dma_wait3A_41 = tpu.memref_slice %arg3[%multiple_of3A] : memref<320000xi32, #tpu.memory_space<hbm>> -> memref<16xi32, #tpu.memory_space<hbm>>
      %dma_wait3A_42 = tpu.memref_slice %arg3[%multiple_of3A] : memref<320000xi32, #tpu.memory_space<hbm>> -> memref<16xi32, #tpu.memory_space<hbm>>
      tpu.wait_dma2 semaphore(%run_scoped3A : memref<!tpu.dma_semaphore, #tpu.memory_space<semaphore_mem>>) src(%dma_wait3A_42 : memref<16xi32, #tpu.memory_space<hbm>>) dst(%arg13 : memref<16xi32, #tpu.memory_space<vmem>>)
      tpu.yield
    }) : () -> ()
    "tpu.region"() ({
      %run_scoped3A = tpu.sem_alloc : memref<!tpu.dma_semaphore, #tpu.memory_space<semaphore_mem>>
      %dma_start3A_39 = tpu.memref_slice %arg4[%multiple_of3A] : memref<320000xi32, #tpu.memory_space<hbm>> -> memref<16xi32, #tpu.memory_space<hbm>>
      %dma_start3A_40 = tpu.memref_slice %arg4[%multiple_of3A] : memref<320000xi32, #tpu.memory_space<hbm>> -> memref<16xi32, #tpu.memory_space<hbm>>
      tpu.enqueue_dma source(%dma_start3A_40 : memref<16xi32, #tpu.memory_space<hbm>>) target(%arg14 : memref<16xi32, #tpu.memory_space<vmem>>) target_semaphore(%run_scoped3A : memref<!tpu.dma_semaphore, #tpu.memory_space<semaphore_mem>>)
      %dma_wait3A_41 = tpu.memref_slice %arg4[%multiple_of3A] : memref<320000xi32, #tpu.memory_space<hbm>> -> memref<16xi32, #tpu.memory_space<hbm>>
      %dma_wait3A_42 = tpu.memref_slice %arg4[%multiple_of3A] : memref<320000xi32, #tpu.memory_space<hbm>> -> memref<16xi32, #tpu.memory_space<hbm>>
      tpu.wait_dma2 semaphore(%run_scoped3A : memref<!tpu.dma_semaphore, #tpu.memory_space<semaphore_mem>>) src(%dma_wait3A_42 : memref<16xi32, #tpu.memory_space<hbm>>) dst(%arg14 : memref<16xi32, #tpu.memory_space<vmem>>)
      tpu.yield
    }) : () -> ()
    %dma_start3A = arith.constant 0 : i32
    %dma_start3A_28 = arith.constant 0 : i32
    %dma_start3A_29 = tpu.memref_slice %arg2[%dma_start3A, %dma_start3A_28] : memref<10000x128xf32, #tpu.memory_space<hbm>> -> memref<10000x128xf32, #tpu.memory_space<hbm>>
    tpu.enqueue_indirect_dma source(%dma_start3A_29 : memref<10000x128xf32, #tpu.memory_space<hbm>>) target(%arg11 : memref<16x128xf32, #tpu.memory_space<vmem>>) offsets(%arg13 : memref<16xi32, #tpu.memory_space<vmem>>) semaphore(%arg17 : memref<!tpu.dma_semaphore, #tpu.memory_space<semaphore_mem>>)
    %dma_wait3A = arith.constant 0 : i32
    %dma_wait3A_30 = arith.constant 0 : i32
    %dma_wait3A_31 = tpu.memref_slice %arg2[%dma_wait3A, %dma_wait3A_30] : memref<10000x128xf32, #tpu.memory_space<hbm>> -> memref<10000x128xf32, #tpu.memory_space<hbm>>
    tpu.wait_indirect_dma semaphore(%arg17 : memref<!tpu.dma_semaphore, #tpu.memory_space<semaphore_mem>>) src(%dma_wait3A_31 : memref<10000x128xf32, #tpu.memory_space<hbm>>) dst(%arg11 : memref<16x128xf32, #tpu.memory_space<vmem>>)
    "tpu.region"() ({
      %run_scoped3A = tpu.sem_alloc : memref<!tpu.dma_semaphore, #tpu.memory_space<semaphore_mem>>
      %dma_start3A_39 = arith.constant 0 : i32
      %dma_start3A_40 = tpu.memref_slice %arg5[%multiple_of3A, %dma_start3A_39] : memref<320000x16xf32, #tpu.memory_space<hbm>> -> memref<16x16xf32, #tpu.memory_space<hbm>>
      %dma_start3A_41 = arith.constant 0 : i32
      %dma_start3A_42 = tpu.memref_slice %arg5[%multiple_of3A, %dma_start3A_41] : memref<320000x16xf32, #tpu.memory_space<hbm>> -> memref<16x16xf32, #tpu.memory_space<hbm>>
      tpu.enqueue_dma source(%dma_start3A_42 : memref<16x16xf32, #tpu.memory_space<hbm>>) target(%arg12 : memref<16x16xf32, #tpu.memory_space<vmem>>) target_semaphore(%run_scoped3A : memref<!tpu.dma_semaphore, #tpu.memory_space<semaphore_mem>>)
      %dma_wait3A_43 = arith.constant 0 : i32
      %dma_wait3A_44 = tpu.memref_slice %arg5[%multiple_of3A, %dma_wait3A_43] : memref<320000x16xf32, #tpu.memory_space<hbm>> -> memref<16x16xf32, #tpu.memory_space<hbm>>
      %dma_wait3A_45 = arith.constant 0 : i32
      %dma_wait3A_46 = tpu.memref_slice %arg5[%multiple_of3A, %dma_wait3A_45] : memref<320000x16xf32, #tpu.memory_space<hbm>> -> memref<16x16xf32, #tpu.memory_space<hbm>>
      tpu.wait_dma2 semaphore(%run_scoped3A : memref<!tpu.dma_semaphore, #tpu.memory_space<semaphore_mem>>) src(%dma_wait3A_46 : memref<16x16xf32, #tpu.memory_space<hbm>>) dst(%arg12 : memref<16x16xf32, #tpu.memory_space<vmem>>)
      tpu.yield
    }) : () -> ()
    %scan3A_32 = arith.constant 0 : i32
    %scan3A_33 = arith.constant 0 : i32
    %scan3A_34 = arith.constant 16 : i32
    %scan3A_35 = arith.addi %scan3A_33, %scan3A_34 : i32
    %scan3A_36 = arith.constant 1 : i32
    scf.for %scan3A_39 = %scan3A_33 to %scan3A_35 step %scan3A_36  : i32 {
      %iota3A = tpu.iota {dimensions = array<i32: 0>} : vector<16xi32>
      %get3A = arith.index_cast %scan3A_39 : i32 to index
      %get3A_40 = arith.constant 0 : index
      %get3A_41 = tpu.vector_load %arg12[%get3A, %get3A_40] {strides = array<i32>} : memref<16x16xf32, #tpu.memory_space<vmem>>, vector<16xf32>,
      %swap3A = arith.constant 0 : index
      %swap3A_42 = tpu.vector_load %arg15[%swap3A] {strides = array<i32>} : memref<16xf32, #tpu.memory_space<vmem>>, vector<16xf32>,
      tpu.vector_store %arg15[%swap3A], %get3A_41 {strides = array<i32>} : memref<16xf32, #tpu.memory_space<vmem>>, vector<16xf32>,
      %mul3A_43 = arith.constant 0 : i32
      %mul3A_44 = vector.broadcast %mul3A_43 : i32 to vector<16xi32>
      %mul3A_45 = arith.muli %iota3A, %mul3A_44 : vector<16xi32>
      %add3A_46 = arith.constant 0 : i32
      %add3A_47 = vector.broadcast %add3A_46 : i32 to vector<16xi32>
      %add3A_48 = arith.addi %mul3A_45, %add3A_47 : vector<16xi32>
      %gather3A = tpu.vector_load_idx %arg15[%add3A_48] : memref<16xf32, #tpu.memory_space<vmem>>[vector<16xi32>], vector<16xf32>,
      %get3A_49 = arith.index_cast %scan3A_39 : i32 to index
      %get3A_50 = arith.constant 0 : index
      %get3A_51 = tpu.vector_load %arg11[%get3A_49, %get3A_50] {strides = array<i32>} : memref<16x128xf32, #tpu.memory_space<vmem>>, vector<16xf32>,
      %mul3A_52 = arith.mulf %get3A_51, %gather3A : vector<16xf32>
      %swap3A_53 = arith.index_cast %scan3A_39 : i32 to index
      %swap3A_54 = arith.constant 0 : index
      %swap3A_55 = tpu.vector_load %arg11[%swap3A_53, %swap3A_54] {strides = array<i32>} : memref<16x128xf32, #tpu.memory_space<vmem>>, vector<16xf32>,
      tpu.vector_store %arg11[%swap3A_53, %swap3A_54], %mul3A_52 {strides = array<i32>} : memref<16x128xf32, #tpu.memory_space<vmem>>, vector<16xf32>,
      %get3A_56 = arith.index_cast %scan3A_39 : i32 to index
      %get3A_57 = arith.constant 16 : index
      %get3A_58 = tpu.vector_load %arg11[%get3A_56, %get3A_57] {strides = array<i32>} : memref<16x128xf32, #tpu.memory_space<vmem>>, vector<16xf32>,
      %mul3A_59 = arith.mulf %get3A_58, %gather3A : vector<16xf32>
      %swap3A_60 = arith.index_cast %scan3A_39 : i32 to index
      %swap3A_61 = arith.constant 16 : index
      %swap3A_62 = tpu.vector_load %arg11[%swap3A_60, %swap3A_61] {strides = array<i32>} : memref<16x128xf32, #tpu.memory_space<vmem>>, vector<16xf32>,
      tpu.vector_store %arg11[%swap3A_60, %swap3A_61], %mul3A_59 {strides = array<i32>} : memref<16x128xf32, #tpu.memory_space<vmem>>, vector<16xf32>,
      %add3A_63 = arith.constant 1 : i32
      %add3A_64 = vector.broadcast %add3A_63 : i32 to vector<16xi32>
      %add3A_65 = arith.addi %mul3A_45, %add3A_64 : vector<16xi32>
      %gather3A_66 = tpu.vector_load_idx %arg15[%add3A_65] : memref<16xf32, #tpu.memory_space<vmem>>[vector<16xi32>], vector<16xf32>,
      %get3A_67 = arith.index_cast %scan3A_39 : i32 to index
      %get3A_68 = arith.constant 32 : index
      %get3A_69 = tpu.vector_load %arg11[%get3A_67, %get3A_68] {strides = array<i32>} : memref<16x128xf32, #tpu.memory_space<vmem>>, vector<16xf32>,
      %mul3A_70 = arith.mulf %get3A_69, %gather3A_66 : vector<16xf32>
      %swap3A_71 = arith.index_cast %scan3A_39 : i32 to index
      %swap3A_72 = arith.constant 32 : index
      %swap3A_73 = tpu.vector_load %arg11[%swap3A_71, %swap3A_72] {strides = array<i32>} : memref<16x128xf32, #tpu.memory_space<vmem>>, vector<16xf32>,
      tpu.vector_store %arg11[%swap3A_71, %swap3A_72], %mul3A_70 {strides = array<i32>} : memref<16x128xf32, #tpu.memory_space<vmem>>, vector<16xf32>,
      %get3A_74 = arith.index_cast %scan3A_39 : i32 to index
      %get3A_75 = arith.constant 48 : index
      %get3A_76 = tpu.vector_load %arg11[%get3A_74, %get3A_75] {strides = array<i32>} : memref<16x128xf32, #tpu.memory_space<vmem>>, vector<16xf32>,
      %mul3A_77 = arith.mulf %get3A_76, %gather3A_66 : vector<16xf32>
      %swap3A_78 = arith.index_cast %scan3A_39 : i32 to index
      %swap3A_79 = arith.constant 48 : index
      %swap3A_80 = tpu.vector_load %arg11[%swap3A_78, %swap3A_79] {strides = array<i32>} : memref<16x128xf32, #tpu.memory_space<vmem>>, vector<16xf32>,
      tpu.vector_store %arg11[%swap3A_78, %swap3A_79], %mul3A_77 {strides = array<i32>} : memref<16x128xf32, #tpu.memory_space<vmem>>, vector<16xf32>,
      %add3A_81 = arith.constant 2 : i32
      %add3A_82 = vector.broadcast %add3A_81 : i32 to vector<16xi32>
      %add3A_83 = arith.addi %mul3A_45, %add3A_82 : vector<16xi32>
      %gather3A_84 = tpu.vector_load_idx %arg15[%add3A_83] : memref<16xf32, #tpu.memory_space<vmem>>[vector<16xi32>], vector<16xf32>,
      %get3A_85 = arith.index_cast %scan3A_39 : i32 to index
      %get3A_86 = arith.constant 64 : index
      %get3A_87 = tpu.vector_load %arg11[%get3A_85, %get3A_86] {strides = array<i32>} : memref<16x128xf32, #tpu.memory_space<vmem>>, vector<16xf32>,
      %mul3A_88 = arith.mulf %get3A_87, %gather3A_84 : vector<16xf32>
      %swap3A_89 = arith.index_cast %scan3A_39 : i32 to index
      %swap3A_90 = arith.constant 64 : index
      %swap3A_91 = tpu.vector_load %arg11[%swap3A_89, %swap3A_90] {strides = array<i32>} : memref<16x128xf32, #tpu.memory_space<vmem>>, vector<16xf32>,
      tpu.vector_store %arg11[%swap3A_89, %swap3A_90], %mul3A_88 {strides = array<i32>} : memref<16x128xf32, #tpu.memory_space<vmem>>, vector<16xf32>,
      %get3A_92 = arith.index_cast %scan3A_39 : i32 to index
      %get3A_93 = arith.constant 80 : index
      %get3A_94 = tpu.vector_load %arg11[%get3A_92, %get3A_93] {strides = array<i32>} : memref<16x128xf32, #tpu.memory_space<vmem>>, vector<16xf32>,
      %mul3A_95 = arith.mulf %get3A_94, %gather3A_84 : vector<16xf32>
      %swap3A_96 = arith.index_cast %scan3A_39 : i32 to index
      %swap3A_97 = arith.constant 80 : index
      %swap3A_98 = tpu.vector_load %arg11[%swap3A_96, %swap3A_97] {strides = array<i32>} : memref<16x128xf32, #tpu.memory_space<vmem>>, vector<16xf32>,
      tpu.vector_store %arg11[%swap3A_96, %swap3A_97], %mul3A_95 {strides = array<i32>} : memref<16x128xf32, #tpu.memory_space<vmem>>, vector<16xf32>,
      %add3A_99 = arith.constant 3 : i32
      %add3A_100 = vector.broadcast %add3A_99 : i32 to vector<16xi32>
      %add3A_101 = arith.addi %mul3A_45, %add3A_100 : vector<16xi32>
      %gather3A_102 = tpu.vector_load_idx %arg15[%add3A_101] : memref<16xf32, #tpu.memory_space<vmem>>[vector<16xi32>], vector<16xf32>,
      %get3A_103 = arith.index_cast %scan3A_39 : i32 to index
      %get3A_104 = arith.constant 96 : index
      %get3A_105 = tpu.vector_load %arg11[%get3A_103, %get3A_104] {strides = array<i32>} : memref<16x128xf32, #tpu.memory_space<vmem>>, vector<16xf32>,
      %mul3A_106 = arith.mulf %get3A_105, %gather3A_102 : vector<16xf32>
      %swap3A_107 = arith.index_cast %scan3A_39 : i32 to index
      %swap3A_108 = arith.constant 96 : index
      %swap3A_109 = tpu.vector_load %arg11[%swap3A_107, %swap3A_108] {strides = array<i32>} : memref<16x128xf32, #tpu.memory_space<vmem>>, vector<16xf32>,
      tpu.vector_store %arg11[%swap3A_107, %swap3A_108], %mul3A_106 {strides = array<i32>} : memref<16x128xf32, #tpu.memory_space<vmem>>, vector<16xf32>,
      %get3A_110 = arith.index_cast %scan3A_39 : i32 to index
      %get3A_111 = arith.constant 112 : index
      %get3A_112 = tpu.vector_load %arg11[%get3A_110, %get3A_111] {strides = array<i32>} : memref<16x128xf32, #tpu.memory_space<vmem>>, vector<16xf32>,
      %mul3A_113 = arith.mulf %get3A_112, %gather3A_102 : vector<16xf32>
      %swap3A_114 = arith.index_cast %scan3A_39 : i32 to index
      %swap3A_115 = arith.constant 112 : index
      %swap3A_116 = tpu.vector_load %arg11[%swap3A_114, %swap3A_115] {strides = array<i32>} : memref<16x128xf32, #tpu.memory_space<vmem>>, vector<16xf32>,
      tpu.vector_store %arg11[%swap3A_114, %swap3A_115], %mul3A_113 {strides = array<i32>} : memref<16x128xf32, #tpu.memory_space<vmem>>, vector<16xf32>,
    }
    %scan3A_37 = arith.constant 16 : i32
    "tpu.region"() ({
      %run_scoped3A = tpu.sem_alloc : memref<!tpu.dma_semaphore, #tpu.memory_space<semaphore_mem>>
      %dma_start3A_39 = arith.constant 0 : i32
      %dma_start3A_40 = arith.constant 0 : i32
      %dma_start3A_41 = tpu.memref_slice %arg16[%dma_start3A_39, %dma_start3A_40] : memref<10112x128xf32, #tpu.memory_space<vmem_shared>> -> memref<10112x128xf32, #tpu.memory_space<vmem_shared>>
      tpu.enqueue_indirect_dma source(%arg11 : memref<16x128xf32, #tpu.memory_space<vmem>>) target(%dma_start3A_41 : memref<10112x128xf32, #tpu.memory_space<vmem_shared>>) offsets(%arg14 : memref<16xi32, #tpu.memory_space<vmem>>) semaphore(%run_scoped3A : memref<!tpu.dma_semaphore, #tpu.memory_space<semaphore_mem>>) {add = true}
      %dma_wait3A_42 = arith.constant 0 : i32
      %dma_wait3A_43 = arith.constant 0 : i32
      %dma_wait3A_44 = tpu.memref_slice %arg16[%dma_wait3A_42, %dma_wait3A_43] : memref<10112x128xf32, #tpu.memory_space<vmem_shared>> -> memref<10112x128xf32, #tpu.memory_space<vmem_shared>>
      tpu.wait_indirect_dma semaphore(%run_scoped3A : memref<!tpu.dma_semaphore, #tpu.memory_space<semaphore_mem>>) src(%arg11 : memref<16x128xf32, #tpu.memory_space<vmem>>) dst(%dma_wait3A_44 : memref<10112x128xf32, #tpu.memory_space<vmem_shared>>)
      tpu.yield
    }) : () -> ()
    %barrier3A_38 = arith.constant 0 : index
    tpu.barrier barrier_id(%barrier3A_38)
    "tpu.region"() ({
      %run_scoped3A = tpu.sem_alloc : memref<!tpu.dma_semaphore, #tpu.memory_space<semaphore_mem>>
      %dma_start3A_39 = arith.constant 0 : i32
      %dma_start3A_40 = tpu.memref_slice %arg6[%arg0, %mul3A_7, %dma_start3A_39] : memref<2x10112x128xf32, #tpu.memory_space<hbm>> -> memref<1x632x128xf32, #tpu.memory_space<hbm>>
      %dma_start3A_41 = tpu.memref_squeeze %dma_start3A_40 : memref<1x632x128xf32, #tpu.memory_space<hbm>> -> memref<632x128xf32, #tpu.memory_space<hbm>>
      %dma_start3A_42 = arith.constant 0 : i32
      %dma_start3A_43 = tpu.memref_slice %arg16[%mul3A_7, %dma_start3A_42] : memref<10112x128xf32, #tpu.memory_space<vmem_shared>> -> memref<632x128xf32, #tpu.memory_space<vmem_shared>>
      tpu.enqueue_dma source(%dma_start3A_43 : memref<632x128xf32, #tpu.memory_space<vmem_shared>>) target(%dma_start3A_41 : memref<632x128xf32, #tpu.memory_space<hbm>>) target_semaphore(%run_scoped3A : memref<!tpu.dma_semaphore, #tpu.memory_space<semaphore_mem>>)
      %dma_wait3A_44 = arith.constant 0 : i32
      %dma_wait3A_45 = tpu.memref_slice %arg6[%arg0, %mul3A_7, %dma_wait3A_44] : memref<2x10112x128xf32, #tpu.memory_space<hbm>> -> memref<1x632x128xf32, #tpu.memory_space<hbm>>
      %dma_wait3A_46 = tpu.memref_squeeze %dma_wait3A_45 : memref<1x632x128xf32, #tpu.memory_space<hbm>> -> memref<632x128xf32, #tpu.memory_space<hbm>>
      %dma_wait3A_47 = arith.constant 0 : i32
      %dma_wait3A_48 = tpu.memref_slice %arg16[%mul3A_7, %dma_wait3A_47] : memref<10112x128xf32, #tpu.memory_space<vmem_shared>> -> memref<632x128xf32, #tpu.memory_space<vmem_shared>>
      tpu.wait_dma2 semaphore(%run_scoped3A : memref<!tpu.dma_semaphore, #tpu.memory_space<semaphore_mem>>) src(%dma_wait3A_48 : memref<632x128xf32, #tpu.memory_space<vmem_shared>>) dst(%dma_wait3A_46 : memref<632x128xf32, #tpu.memory_space<hbm>>)
      tpu.yield
    }) : () -> ()
    return
  }
}

module attributes {stable_mosaic.version = 14 : i64} {
  func.func @_matmul_body(%arg0: i32, %arg1: memref<2000x128xf32, #tpu.memory_space<vmem>>, %arg2: memref<128x128xf32, #tpu.memory_space<vmem>>, %arg3: memref<2000x128xf32, #tpu.memory_space<vmem>>) attributes {dimension_semantics = [#tpu.dimension_semantics<arbitrary>], iteration_bounds = array<i64: 5>, scalar_prefetch = 0 : i64, scratch_operands = 0 : i64, tpu.core_type = #tpu.core_type<tc>, window_params = [{transform_indices = @transform_0, window_bounds = array<i64: 2000, 128>}, {pipeline_mode = #tpu.pipeline_mode<synchronous>, transform_indices = @transform_1, window_bounds = array<i64: 128, 128>}, {transform_indices = @transform_2, window_bounds = array<i64: 2000, 128>}]} {
    %get3A = arith.constant 0 : index
    %get3A_0 = arith.constant 0 : index
    %get3A_1 = vector.load %arg1[%get3A, %get3A_0] : memref<2000x128xf32, #tpu.memory_space<vmem>>, vector<2000x128xf32>
    %get3A_2 = arith.constant 0 : index
    %get3A_3 = arith.constant 0 : index
    %get3A_4 = vector.load %arg2[%get3A_2, %get3A_3] : memref<128x128xf32, #tpu.memory_space<vmem>>, vector<128x128xf32>
    %dot_general3A = arith.constant dense<0.000000e+00> : vector<2000x128xf32>
    %dot_general3A_5 = tpu.matmul %get3A_1, %get3A_4, %dot_general3A {dimension_numbers = #tpu.dot_dimension_numbers<[1], [1], [0], [0], [0, 0, 1, 0], [], []>, transpose_lhs_hint = false} : vector<2000x128xf32>, vector<128x128xf32>, vector<2000x128xf32> -> vector<2000x128xf32>
    %swap3A = arith.constant 0 : index
    %swap3A_6 = arith.constant 0 : index
    %swap3A_7 = vector.load %arg3[%swap3A, %swap3A_6] : memref<2000x128xf32, #tpu.memory_space<vmem>>, vector<2000x128xf32>
    tpu.vector_store %arg3[%swap3A, %swap3A_6], %dot_general3A_5 {strides = array<i32>} : memref<2000x128xf32, #tpu.memory_space<vmem>>, vector<2000x128xf32>,
    return
  }
  func.func @transform_0(%arg0: i32) -> (i32, i32) {
    %c0_i32 = arith.constant 0 : i32
    %c0_i32_0 = arith.constant 0 : i32
    return %arg0, %c0_i32 : i32, i32
  }
  func.func @transform_1(%arg0: i32) -> (i32, i32) {
    %c0_i32 = arith.constant 0 : i32
    %c0_i32_0 = arith.constant 0 : i32
    %c0_i32_1 = arith.constant 0 : i32
    return %c0_i32, %c0_i32_0 : i32, i32
  }
  func.func @transform_2(%arg0: i32) -> (i32, i32) {
    %c0_i32 = arith.constant 0 : i32
    %c0_i32_0 = arith.constant 0 : i32
    return %arg0, %c0_i32 : i32, i32
  }
}

module attributes {stable_mosaic.version = 14 : i64} {
  func.func @_combine_body(%arg0: i32, %arg1: memref<2000x128xf32, #tpu.memory_space<vmem>>, %arg2: memref<2000x128xf32, #tpu.memory_space<vmem>>, %arg3: memref<2000x128xf32, #tpu.memory_space<vmem>>, %arg4: memref<1x128xf32, #tpu.memory_space<vmem>>, %arg5: memref<2000x128xf32, #tpu.memory_space<vmem>>) attributes {dimension_semantics = [#tpu.dimension_semantics<arbitrary>], iteration_bounds = array<i64: 5>, scalar_prefetch = 0 : i64, scratch_operands = 0 : i64, tpu.core_type = #tpu.core_type<tc>, window_params = [{transform_indices = @transform_0, window_bounds = array<i64: 2000, 128>}, {transform_indices = @transform_1, window_bounds = array<i64: 2000, 128>}, {transform_indices = @transform_2, window_bounds = array<i64: 2000, 128>}, {pipeline_mode = #tpu.pipeline_mode<synchronous>, transform_indices = @transform_3, window_bounds = array<i64: 1, 128>}, {transform_indices = @transform_4, window_bounds = array<i64: 2000, 128>}]} {
    %get3A = arith.constant 0 : index
    %get3A_0 = arith.constant 0 : index
    %get3A_1 = vector.load %arg3[%get3A, %get3A_0] : memref<2000x128xf32, #tpu.memory_space<vmem>>, vector<2000x128xf32>
    %slice3A = vector.extract_strided_slice %get3A_1 {offsets = [0, 0], sizes = [2000, 32], strides = [1, 1]} : vector<2000x128xf32> to vector<2000x32xf32>
    %reduce_sum3A = arith.constant dense<0.000000e+00> : vector<2000xf32>
    %reduce_sum3A_2 = vector.multi_reduction <add>, %slice3A, %reduce_sum3A [1] : vector<2000x32xf32> to vector<2000xf32>
    %broadcast_in_dim3A = vector.shape_cast %reduce_sum3A_2 : vector<2000xf32> to vector<2000x1xf32>
    %gt3A = arith.constant 0.000000e+00 : f32
    %gt3A_3 = vector.broadcast %gt3A : f32 to vector<2000x1xf32>
    %gt3A_4 = arith.cmpf ogt, %broadcast_in_dim3A, %gt3A_3 : vector<2000x1xf32>
    %jit3A = arith.constant 1.000000e+00 : f32
    %broadcast_in_dim3A_5 = vector.broadcast %jit3A : f32 to vector<2000x1xf32>
    %select_n3A = arith.select %gt3A_4, %broadcast_in_dim3A, %broadcast_in_dim3A_5 : vector<2000x1xi1>, vector<2000x1xf32>
    %broadcast_in_dim3A_6 = vector.shape_cast %select_n3A : vector<2000x1xf32> to vector<2000x1xf32>
    %broadcast_in_dim3A_7 = vector.broadcast %broadcast_in_dim3A_6 : vector<2000x1xf32> to vector<2000x32xf32>
    %slice3A_8 = vector.extract_strided_slice %get3A_1 {offsets = [0, 32], sizes = [2000, 32], strides = [1, 1]} : vector<2000x128xf32> to vector<2000x32xf32>
    %reduce_sum3A_9 = arith.constant dense<0.000000e+00> : vector<2000xf32>
    %reduce_sum3A_10 = vector.multi_reduction <add>, %slice3A_8, %reduce_sum3A_9 [1] : vector<2000x32xf32> to vector<2000xf32>
    %broadcast_in_dim3A_11 = vector.shape_cast %reduce_sum3A_10 : vector<2000xf32> to vector<2000x1xf32>
    %gt3A_12 = arith.constant 0.000000e+00 : f32
    %gt3A_13 = vector.broadcast %gt3A_12 : f32 to vector<2000x1xf32>
    %gt3A_14 = arith.cmpf ogt, %broadcast_in_dim3A_11, %gt3A_13 : vector<2000x1xf32>
    %jit3A_15 = arith.constant 1.000000e+00 : f32
    %broadcast_in_dim3A_16 = vector.broadcast %jit3A_15 : f32 to vector<2000x1xf32>
    %select_n3A_17 = arith.select %gt3A_14, %broadcast_in_dim3A_11, %broadcast_in_dim3A_16 : vector<2000x1xi1>, vector<2000x1xf32>
    %broadcast_in_dim3A_18 = vector.shape_cast %select_n3A_17 : vector<2000x1xf32> to vector<2000x1xf32>
    %broadcast_in_dim3A_19 = vector.broadcast %broadcast_in_dim3A_18 : vector<2000x1xf32> to vector<2000x32xf32>
    %slice3A_20 = vector.extract_strided_slice %get3A_1 {offsets = [0, 64], sizes = [2000, 32], strides = [1, 1]} : vector<2000x128xf32> to vector<2000x32xf32>
    %reduce_sum3A_21 = arith.constant dense<0.000000e+00> : vector<2000xf32>
    %reduce_sum3A_22 = vector.multi_reduction <add>, %slice3A_20, %reduce_sum3A_21 [1] : vector<2000x32xf32> to vector<2000xf32>
    %broadcast_in_dim3A_23 = vector.shape_cast %reduce_sum3A_22 : vector<2000xf32> to vector<2000x1xf32>
    %gt3A_24 = arith.constant 0.000000e+00 : f32
    %gt3A_25 = vector.broadcast %gt3A_24 : f32 to vector<2000x1xf32>
    %gt3A_26 = arith.cmpf ogt, %broadcast_in_dim3A_23, %gt3A_25 : vector<2000x1xf32>
    %jit3A_27 = arith.constant 1.000000e+00 : f32
    %broadcast_in_dim3A_28 = vector.broadcast %jit3A_27 : f32 to vector<2000x1xf32>
    %select_n3A_29 = arith.select %gt3A_26, %broadcast_in_dim3A_23, %broadcast_in_dim3A_28 : vector<2000x1xi1>, vector<2000x1xf32>
    %broadcast_in_dim3A_30 = vector.shape_cast %select_n3A_29 : vector<2000x1xf32> to vector<2000x1xf32>
    %broadcast_in_dim3A_31 = vector.broadcast %broadcast_in_dim3A_30 : vector<2000x1xf32> to vector<2000x32xf32>
    %slice3A_32 = vector.extract_strided_slice %get3A_1 {offsets = [0, 96], sizes = [2000, 32], strides = [1, 1]} : vector<2000x128xf32> to vector<2000x32xf32>
    %reduce_sum3A_33 = arith.constant dense<0.000000e+00> : vector<2000xf32>
    %reduce_sum3A_34 = vector.multi_reduction <add>, %slice3A_32, %reduce_sum3A_33 [1] : vector<2000x32xf32> to vector<2000xf32>
    %broadcast_in_dim3A_35 = vector.shape_cast %reduce_sum3A_34 : vector<2000xf32> to vector<2000x1xf32>
    %gt3A_36 = arith.constant 0.000000e+00 : f32
    %gt3A_37 = vector.broadcast %gt3A_36 : f32 to vector<2000x1xf32>
    %gt3A_38 = arith.cmpf ogt, %broadcast_in_dim3A_35, %gt3A_37 : vector<2000x1xf32>
    %jit3A_39 = arith.constant 1.000000e+00 : f32
    %broadcast_in_dim3A_40 = vector.broadcast %jit3A_39 : f32 to vector<2000x1xf32>
    %select_n3A_41 = arith.select %gt3A_38, %broadcast_in_dim3A_35, %broadcast_in_dim3A_40 : vector<2000x1xi1>, vector<2000x1xf32>
    %broadcast_in_dim3A_42 = vector.shape_cast %select_n3A_41 : vector<2000x1xf32> to vector<2000x1xf32>
    %broadcast_in_dim3A_43 = vector.broadcast %broadcast_in_dim3A_42 : vector<2000x1xf32> to vector<2000x32xf32>
    %concatenate3A = tpu.concatenate %broadcast_in_dim3A_7, %broadcast_in_dim3A_19, %broadcast_in_dim3A_31, %broadcast_in_dim3A_43 in 1 : vector<2000x32xf32>, vector<2000x32xf32>, vector<2000x32xf32>, vector<2000x32xf32> -> vector<2000x128xf32>
    %get3A_44 = arith.constant 0 : index
    %get3A_45 = arith.constant 0 : index
    %get3A_46 = vector.load %arg1[%get3A_44, %get3A_45] : memref<2000x128xf32, #tpu.memory_space<vmem>>, vector<2000x128xf32>
    %get3A_47 = arith.constant 0 : index
    %get3A_48 = arith.constant 0 : index
    %get3A_49 = vector.load %arg2[%get3A_47, %get3A_48] : memref<2000x128xf32, #tpu.memory_space<vmem>>, vector<2000x128xf32>
    %add3A = arith.addf %get3A_46, %get3A_49 : vector<2000x128xf32>
    %div3A = arith.divf %add3A, %concatenate3A : vector<2000x128xf32>
    %get3A_50 = arith.constant 0 : index
    %get3A_51 = arith.constant 0 : index
    %get3A_52 = vector.load %arg4[%get3A_50, %get3A_51] : memref<1x128xf32, #tpu.memory_space<vmem>>, vector<1x128xf32>
    %add3A_53 = vector.broadcast %get3A_52 : vector<1x128xf32> to vector<2000x128xf32>
    %add3A_54 = arith.addf %div3A, %add3A_53 : vector<2000x128xf32>
    %swap3A = arith.constant 0 : index
    %swap3A_55 = arith.constant 0 : index
    %swap3A_56 = vector.load %arg5[%swap3A, %swap3A_55] : memref<2000x128xf32, #tpu.memory_space<vmem>>, vector<2000x128xf32>
    tpu.vector_store %arg5[%swap3A, %swap3A_55], %add3A_54 {strides = array<i32>} : memref<2000x128xf32, #tpu.memory_space<vmem>>, vector<2000x128xf32>,
    return
  }
  func.func @transform_0(%arg0: i32) -> (i32, i32) {
    %c0_i32 = arith.constant 0 : i32
    %c0_i32_0 = arith.constant 0 : i32
    return %arg0, %c0_i32 : i32, i32
  }
  func.func @transform_1(%arg0: i32) -> (i32, i32) {
    %c0_i32 = arith.constant 0 : i32
    %c0_i32_0 = arith.constant 0 : i32
    return %arg0, %c0_i32 : i32, i32
  }
  func.func @transform_2(%arg0: i32) -> (i32, i32) {
    %c0_i32 = arith.constant 0 : i32
    %c0_i32_0 = arith.constant 0 : i32
    return %arg0, %c0_i32 : i32, i32
  }
  func.func @transform_3(%arg0: i32) -> (i32, i32) {
    %c0_i32 = arith.constant 0 : i32
    %c0_i32_0 = arith.constant 0 : i32
    %c0_i32_1 = arith.constant 0 : i32
    return %c0_i32, %c0_i32_0 : i32, i32
  }
  func.func @transform_4(%arg0: i32) -> (i32, i32) {
    %c0_i32 = arith.constant 0 : i32
    %c0_i32_0 = arith.constant 0 : i32
    return %arg0, %c0_i32 : i32, i32
  }
}

</mosaic_0001>

<sc_bundles>
// kernel: kernel.6.cloned.1.call-start
scs
__scs_entry_jumppad:
0x0: {  	(pc) =	sbr.rel $0x88, $3  }
0x1: {  	(tag) =	ssettag $0x0;
	lr =	simm.s32 $0x1  }
0x2: {  	[smem:$0x3F9D] =	sst lr;
	_ =	strace $0xD0000000  }
0x3: {  	_ = 	snop  }
0x4: {  	_ = 	snop  }
0x5: {  	_ = 	snop  }
0x6: {  	_ = 	snop  }
0x7: {  	_ = 	snop  }
__scs_overlays_trampoline_lowered:
0x8: {  	[smem:$0x3FAC] =	sst s0  }
0x9: {  	[smem:$0x3FAD] =	sst s1  }
0xa: {  	[smem:$0x3FAE] =	sst s2  }
0xb: {  	[smem:$0x3FAF] =	sst s3  }
0xc: {  	[smem:$0x3FB0] =	sst s4  }
0xd: {  	[smem:$0x3FB1] =	sst s5  }
0xe: {  	[smem:$0x3FB2] =	sst s6  }
0xf: {  	[smem:$0x3FB3] =	sst s7  }
0x10: {  	[smem:$0x3FB4] =	sst s8  }
0x11: {  	[smem:$0x3FB5] =	sst s9;
	s0 =	simm.s32 @!p0 $0x0  }
0x12: {  	s1 =	sld [smem:$0x3F9B];
	s0 =	simm.s32 @p0 $0x1  }
0x13: {  	[smem:$0x3FB6] =	sst s0;
	s0 =	simm.s32 @!p1 $0x0  }
0x14: {  	s2 =	sld [smem:$0x3F9A];
	s0 =	simm.s32 @p1 $0x1  }
0x15: {  	[smem:$0x3FB7] =	sst s0;
	s0 =	simm.s32 @!p2 $0x0  }
0x16: {  	s3 =	sld [smem:$0x3FDB];
	s0 =	simm.s32 @p2 $0x1  }
0x17: {  	s4 =	simm.s32 $0x1BF5;
	[smem:$0x3FB9] =	sst s0  }
0x18: {  	s0 =	sld [smem:$0x3F9C];
	_ =	swait.ge [sflag:s4], $0x0  }
0x19: {  	s7 =	sld [smem:$0x3F9D]  }
0x1a: {  	s8 =	sadd.s32 $0xFFFFE003, lr  }
0x1b: {  	s9 =	sadd.s32 $0xFFFFFEF7, lr;
	s5 =	simm.s32 $0xFFFFFFFF;
	p2 =	slt.u32 s8, $0xFFFFF086  }
0x1c: {  	p1 =	slt.u32 s9, $0xF7A;
	s5 =	simm.s32 @!p2 $0x0  }
0x1d: {  	s5 =	simm.s32 @p1 $0x1;
	p0 =	seq.s32 s7, s2  }
0x1e: {  	s7 =	smul.u32 @!p0 $0xF7A, s2;
	p2 =	seq.s32 @!p0 s5, $0x0  }
0x1f: {  	s9 =	smul.u32 $0xF7A, s1;
	s8 =	simm.s32 @!p0 $0x1BF5;
	p2 =	por !p2, p0  }
0x20: {  	[sflag:s8] =	ssyncset.s32 @!p0 $0xFFFFF086;
	s6 =	sadd.s32 @!p0 s3, s7;
	s7 =	simm.s32 @!p0 $0x108  }
0x21: {  	s3 =	sadd.s32 s3, s9;
	s6 =	sadd.s32 @!p0 $0x88, s6;
	s7 =	simm.s32 @p2 $0x1082  }
0x22: {  	[simem:s7], [sflag:s8] =	dma.local @!p0 [hbm:s6], $0xF7A  }
0x23: {  	s9 =	sor.u32 $0xD0000000, s2;
	s6 =	simm.s32 $0x108;
	_ =	swait.ge @!p0 [sflag:s8], $0x0  }
0x24: {  	s3 =	sadd.s32 $0x88, s3;
	s6 =	simm.s32 @!p1 $0x1082;
	[sflag:s4] =	ssyncset.s32 $0xFFFFF086  }
0x25: {  	[simem:s6], [sflag:s4] =	dma.local [hbm:s3], $0xF7A  }
0x26: {  	[smem:$0x3F9D] =	sst s1;
	(tag) =	ssettag s2;
	_ =	strace s9  }
0x27: {  	s1 =	sld [smem:$0x3FAD]  }
0x28: {  	s2 =	sld [smem:$0x3FAE]  }
0x29: {  	s4 =	sld [smem:$0x3FB0]  }
0x2a: {  	p0 =	seq.s32 s5, $0x0;
	s5 =	sld [smem:$0x3FB1]  }
0x2b: {  	s6 =	sld [smem:$0x3FB2]  }
0x2c: {  	s7 =	sld [smem:$0x3FB3]  }
0x2d: {  	s3 =	simm.s32 $0x108;
	s8 =	sld [smem:$0x3FB4]  }
0x2e: {  	s3 =	simm.s32 @!p0 $0x1082;
	s9 =	sld [smem:$0x3FB5]  }
0x2f: {  	lr =	sadd.s32 s0, s3;
	s0 =	sld [smem:$0x3FAC]  }
0x30: {  	s3 =	sld [smem:$0x3FAF]  }
0x31: {  	[smem:$0x3FB8] =	sst s10  }
0x32: {  	s10 =	sld [smem:$0x3FB6];
	_ =	sdelay $0x3  }
0x33: {  	p0 =	seq.s32 s10, $0x1;
	s10 =	sld [smem:$0x3FB8];
	_ =	sdelay $0x3  }
0x34: {  	[smem:$0x3FB8] =	sst s10  }
0x35: {  	s10 =	sld [smem:$0x3FB7];
	_ =	sdelay $0x3  }
0x36: {  	p1 =	seq.s32 s10, $0x1;
	s10 =	sld [smem:$0x3FB8];
	_ =	sdelay $0x3  }
0x37: {  	[smem:$0x3FB8] =	sst s10  }
0x38: {  	s10 =	sld [smem:$0x3FB9]  }
0x39: {  	_ = 	snop;
	(pc) =	sbr.ind lr, $3  }
0x3a: {  	_ = 	snop  }
0x3b: {  	_ = 	snop  }
0x3c: {  	p2 =	seq.s32 s10, $0x1;
	s10 =	sld [smem:$0x3FB8]  }
0x3d: {  	_ =	shalt  }
0x3e: {  	_ =	shalt  }
0x3f: {  	_ =	shalt  }
0x40: {  	_ =	shalt  }
0x41: {  	_ =	shalt  }
0x42: {  	_ =	shalt  }
0x43: {  	_ =	shalt  }
0x44: {  	_ =	shalt  }
0x45: {  	_ =	shalt  }
0x46: {  	_ =	shalt  }
0x47: {  	_ =	shalt  }
0x48: {  	_ =	shalt  }
0x49: {  	_ =	shalt  }
0x4a: {  	_ =	shalt  }
0x4b: {  	_ =	shalt  }
0x4c: {  	_ =	shalt  }
0x4d: {  	_ =	shalt  }
0x4e: {  	_ =	shalt  }
0x4f: {  	_ =	shalt  }
0x50: {  	_ =	shalt  }
0x51: {  	_ =	shalt  }
0x52: {  	_ =	shalt  }
0x53: {  	_ =	shalt  }
0x54: {  	_ =	shalt  }
0x55: {  	_ =	shalt  }
0x56: {  	_ =	shalt  }
0x57: {  	_ =	shalt  }
0x58: {  	_ =	shalt  }
0x59: {  	_ =	shalt  }
0x5a: {  	_ =	shalt  }
0x5b: {  	_ =	shalt  }
0x5c: {  	_ =	shalt  }
0x5d: {  	_ =	shalt  }
0x5e: {  	_ =	shalt  }
0x5f: {  	_ =	shalt  }
0x60: {  	_ =	shalt  }
0x61: {  	_ =	shalt  }
0x62: {  	_ =	shalt  }
0x63: {  	_ =	shalt  }
0x64: {  	_ =	shalt  }
0x65: {  	_ =	shalt  }
0x66: {  	_ =	shalt  }
0x67: {  	_ =	shalt  }
0x68: {  	_ =	shalt  }
0x69: {  	_ =	shalt  }
0x6a: {  	_ =	shalt  }
0x6b: {  	_ =	shalt  }
0x6c: {  	_ =	shalt  }
0x6d: {  	_ =	shalt  }
0x6e: {  	_ =	shalt  }
0x6f: {  	_ =	shalt  }
0x70: {  	_ =	shalt  }
0x71: {  	_ =	shalt  }
0x72: {  	_ =	shalt  }
0x73: {  	_ =	shalt  }
0x74: {  	_ =	shalt  }
0x75: {  	_ =	shalt  }
0x76: {  	_ =	shalt  }
0x77: {  	_ =	shalt  }
0x78: {  	_ =	shalt  }
0x79: {  	_ =	shalt  }
0x7a: {  	_ =	shalt  }
0x7b: {  	_ =	shalt  }
0x7c: {  	_ =	shalt  }
0x7d: {  	_ =	shalt  }
0x7e: {  	_ =	shalt  }
0x7f: {  	_ =	shalt  }
0x80: {  	_ =	shalt  }
0x81: {  	_ =	shalt  }
0x82: {  	_ =	shalt  }
0x83: {  	_ =	shalt  }
0x84: {  	_ =	shalt  }
0x85: {  	_ =	shalt  }
0x86: {  	_ =	shalt  }
0x87: {  	_ =	shalt  }
.Lfunc_end0:
.L_simem_size_0:
called_computation_lowered:
.L_overlay_start_0:
0x88: {  	s2 =	sld [smem:$0x3FD9]  }
0x89: {  	s3 =	sld [smem:$0x3FFE];
	_ =	sdelay $0x1  }
0x8a: {  	s1 =	srdreg.scid  }
0x8b: {  	s0 =	sand.u32 $0x1, s1  }
0x8c: {  	s17 =	sshll.u32 s0, $0xA;
	s2 =	sadd.s32 s3, s2  }
0x8d: {  	s2 =	sadd.s32 s2, s17  }
0x8e: {  	[smem:$0x3FC4] =	sst s2  }
0x8f: {  	_ = 	snop  }
0x90: {  	s2 =	sld [smem:$0x3FD0];
	(tm) =	ssettm $0x1  }
0x91: {  	s18 =	sld [smem:$0x3FFB];
	_ =	sdelay $0x3  }
0x92: {  	_ =	strace s18  }
0x93: {  	s3 =	sld [smem:$0x3FFC];
	_ =	sdelay $0x3  }
0x94: {  	_ =	strace s3  }
0x95: {  	s3 =	sld [smem:$0x3FFD];
	_ =	sdelay $0x3  }
0x96: {  	_ =	strace s3  }
0x97: {  	_ =	strace $0x8FFFFFFF  }
0x98: {  	s19 =	sld [smem:$0x3FDB];
	_ =	sdelay $0x1  }
0x99: {  	s4 =	simm.s32 $_scs_section_size  }
0x9a: {  	s5 =	simm.s32 $_size__tile_overlayer_lowered;
	s6 =	simm.s32 $_tile_overlayer_lowered  }
0x9b: {  	s22 =	simm.s32 $0x1BFF;
	s21 =	sshll.u32 s6, $0x1;
	s3 =	sadd.s32 s4, s19  }
0x9c: {  	s7 =	simm.s32 $0x0;
	s20 =	sshll.u32 s5, $0x1;
	s5 =	sadd.s32 s21, s3  }
0x9d: {  	[timem:s7], [sflag:s22] =	dma.local [hbm:s5], s20  }
0x9e: {  	_ =	swait.ge [sflag:s22], s20  }
0x9f: {  	s4 =	ssub.s32 $0x0, s20;
	[sflag:s22] =	ssyncset.done $0x0  }
0xa0: {  	[sflag:s22] =	ssyncadd.s32 s4;
	_ =	sdelay $0x1  }
0xa1: {  	s23 =	simm.s32 $0x1B8B  }
0xa2: {  	_ =	swait.ge [sflag:s23], $0x1  }
0xa3: {  	[sflag:s23] =	ssyncset.done $0x0  }
0xa4: {  	s25 =	simm.s32 $0x1B8E;
	s24 =	sld [smem:$0x3FFE];
	[sflag:s23] =	ssyncadd.s32 $0xFFFFFFFF  }
0xa5: {  	s26 =	simm.s32 $execute0_lowered;
	[smem:$0x3FD2] =	sst s25  }
0xa6: {  	s5 =	sshll.u32 s26, $0x1;
	_ =	strace $0x80000046;
	[dreg:$0x1] =	wrdreg $0xFFFFFFFF  }
0xa7: {  	s28 =	simm.s32 $_size_execute0_lowered;
	s3 =	sadd.s32 s3, s5;
	[dreg:$0x0] =	wrdreg $0x0  }
0xa8: {  	s5 =	sshll.u32 s28, $0x1;
	[dreg:$0x2] =	wrdreg s3  }
0xa9: {  	[dreg:$0x3] =	wrdreg s5  }
0xaa: {  	[dreg:$0x4] =	wrdreg $0xC0  }
0xab: {  	_ =	task [dreg:s7], $0x5FFFF  }
0xac: {  	[dreg:$0x1] =	wrdreg $0xFFFFFFFF  }
0xad: {  	[dreg:$0x0] =	wrdreg $0x60  }
0xae: {  	[dreg:$0x2] =	wrdreg s24  }
0xaf: {  	[dreg:$0x3] =	wrdreg s2  }
0xb0: {  	[dreg:$0x4] =	wrdreg $0x9  }
0xb1: {  	_ =	task.clear_ibuf [dreg:s7], $0x5FFFF;
	_ =	strace $0x90000046  }
0xb2: {  	s29 =	simm.s32 $0x9;
	_ =	strace $0x80000048  }
0xb3: {  	_ =	swait.ge [sflag:s29], $0x1  }
0xb4: {  	[sflag:s29] =	ssyncadd.s32 $0xFFFFFFFF  }
0xb5: {  	_ =	strace $0x90000048  }
0xb6: {  	_ =	sfence  }
0xb7: {  	s30 =	sld [smem:$0x0];
	_ =	sdelay $0x2  }
0xb8: {  	s31 =	sshll.u32 s1, $0xD;
	s1 =	sshrl.u32 s1, $0x2  }
0xb9: {  	s3 =	sand.u32 $0x4000, s31;
	s1 =	sadd.s32 s1, s30  }
0xba: {  	s0 =	sor.u32 s3, s0;
	s1 =	sshll.u32 s1, $0x11  }
0xbb: {  	s0 =	sor.u32 s1, s0  }
0xbc: {  	s0 =	sadd.s32 $0x8F2B, s0  }
0xbd: {  	[sflag:s0] =	ssyncadd.remote.s32 $0x1  }
0xbe: {  	_ =	sfence.sel $0xFFFF  }
0xbf: {  	[dreg:$0x0] =	wrdreg $0xFFFFFFFF;
	(pc) =	sbr.abs _section_cstart, $3  }
0xc0: {  	[dreg:$0x1] =	wrdreg $0xFFFFFFFF  }
0xc1: {  	_ =	task.clear_ibuf [dreg:s7], $0x2FFFF;
	_ =	strace $0x9FFFFFFF  }
0xc2: {  	(tm) =	ssettm $0x7FFFFFFF  }
0xc3: {  	_ =	shalt  }
tec
execute0_lowered:
.L_overlay_start_1:
0x0: {  	(tag) =	ssettag $0x1  }
0x1: {  	v0 =	vimm.s32 $0x38281808  }
0x2: {  	s0 =	rddreg [dreg:$0x0];
	v1 =	vimm.s32 $0x3C2C1C0C;
	vm0 =	vcmask $0x1F10;
	v3 =	vimm.s32 $0x34241404  }
0x3: {  	s2 =	rddreg [dreg:$0x1];
	s1 =	simm.s32 $0x0;
	v4 =	vimm.s32 $0x39291909;
	v5 =	vimm.s32 $0x3D2D1D0D;
	v6 =	vimm.s32 $0x31211101  }
0x4: {  	s3 =	srdreg.scid;
	v2 =	vimm.s32 $0x30201000;
	s10 =	stileid.u32;
	v7 =	vimm.s32 $0x35251505;
	s13 =	simm.s32 $0xC000;
	v8 =	vimm.s32 $0x33231303  }
0x5: {  	s14 =	simm.s32 $0x2;
	s15 =	simm.s32 $0xC080;
	s18 =	simm.s32 $0x4000;
	v0 =	vunpack.c.0.s8.s32 v0;
	v1 =	vunpack.c.0.s8.s32 v1;
	v2 =	vunpack.c.0.s8.s32 v2  }
0x6: {  	s19 =	simm.s32 $0xDA00;
	s20 =	simm.s32 $0xDA80;
	s21 =	simm.s32 $0xDB00;
	v3 =	vunpack.c.0.s8.s32 v3;
	v6 =	vunpack.c.0.s8.s32 v6;
	v7 =	vunpack.c.0.s8.s32 v7  }
0x7: {  	v9 =	vimm.s32 $0x37271707;
	s22 =	simm.s32 $0x8000;
	s23 =	simm.s32 $0xD900;
	s24 =	simm.s32 $0xD980;
	v4 =	vunpack.c.0.s8.s32 v4;
	v5 =	vunpack.c.0.s8.s32 v5  }
0x8: {  	[smem:$0x7FF] =	sst s1;
	s8 =	sand.u32 $0x1, s3;
	s3 =	sadd.s32 $0x14C00, s0;
	v0 =	vsel vm0, v1, v0;
	v1 =	vsel vm0, v3, v2;
	v2 =	vsel vm0, v7, v6  }
0x9: {  	s16 =	simm.s32 $0x80;
	s17 =	simm.s32 $0x1;
	s31 =	simm.s32 $0x0;
	v3 =	vimm.s32 $0x3E2E1E0E;
	v6 =	vimm.s32 $0x3B2B1B0B;
	v7 =	vimm.s32 $0x3F2F1F0F  }
0xa: {  	s5 =	sadd.s32 $0x1000, s0;
	s7 =	sadd.s32 $0x3BE00, s0;
	s4 =	sshll.u32 s8, $0x4;
	v0 =	vcombine.low v1, v0;
	v1 =	vsel vm0, v5, v4;
	v3 =	vunpack.c.0.s8.s32 v3  }
0xb: {  	_ =	strace $0x80000047;
	s25 =	ssub.s32 $0x2, s8;
	s9 =	sor.u32 s10, s4;
	v4 =	vimm.s32 $0x32221202;
	v1 =	vcombine.low v2, v1;
	v2 =	vimm.s32 $0x3A2A1A0A  }
0xc: {  	s4 =	sadd.s32 $0xAE00, s0;
	s6 =	smul.u32 $0x2710, s9;
	s26 =	sshrl.u32 s9, $0x3;
	v5 =	vimm.s32 $0x36261606;
	v6 =	vunpack.c.0.s8.s32 v6;
	v2 =	vunpack.c.0.s8.s32 v2  }
0xd: {  	s10 =	sshll.u32 s10, $0x7;
	s11 =	sshrl.u32 s25, $0x1;
	v7 =	vunpack.c.0.s8.s32 v7;
	s8 =	smul.u32 $0x4F000, s26;
	v4 =	vunpack.c.0.s8.s32 v4;
	v5 =	vunpack.c.0.s8.s32 v5  }
0xe: {  	s10 =	sand.u32 $0x380, s10;
	s0 =	ssub.s32 s25, s11;
	s28 =	sadd.s32 $0x2700, s6;
	v10 =	vsel vm0, v3, v2;
	v3 =	vunpack.c.0.s8.s32 v8;
	v8 =	vunpack.c.0.s8.s32 v9  }
0xf: {  	s25 =	simm.s32 $0x10;
	s12 =	sshrl.u32 s28, $0x3;
	s8 =	sor.u32 s10, s8;
	v4 =	vsel vm0, v5, v4;
	v5 =	vsel vm0, v7, v6;
	v9 =	vlaneseq.u32  }
0x10: {  	s9 =	sshll.u32 s28, $0x4;
	s29 =	sadd.s32 s4, s12;
	s30 =	sadd.s32 s5, s12;
	v2 =	vimm.f32 $0.0e+00;
	v4 =	vcombine.low v4, v10;
	v6 =	vsel vm0, v8, v3  }
0x11: {  	s8 =	sshrl.u32 s8, $0x3;
	s10 =	sadd.s32 s7, s9;
	[dreg:$0x3] =	wrdreg s29;
	v3 =	vand.u32 $0x3, v9;
	v8 =	vor.u32 $0xC, v9;
	vm0 =	vmmov $0xf  }
0x12: {  	s12 =	smax.u32 s0, $0x1;
	[dreg:$0x4] =	wrdreg s30;
	s11 =	sadd.s32 s2, s8;
	v5 =	vcombine.low v6, v5;
	v6 =	vor.u32 $0x4, v3;
	v7 =	vor.u32 $0x8, v3  }
.LBB2_1:
0x13: {  	s0 =	simm.s32 $0x40;
	s2 =	simm.s32 $0x0  }
.LBB2_2:
0x14: {  	p0 =	sne.s32 s0, $0x277C0;
	[tilespmem:s2+$0xDB00] =	vst v2;
	s2 =	smov.u32 s0;
	s0 =	sadd.s32 $0x40, s0  }
.Ltmp0:
0x15: {  	(pc) =	sbr.rel @p0 .LBB2_2-.Ltmp0, $2  }
0x16: {  	_ =	sdelay $0x2  }
0x17: {  	s2 =	sshra.s32 s2, $0x2  }
0x18: {  	[tilespmem:s2+$0xDB00] =	vst v2;
	s0 =	simm.s32 $0x0;
	s2 =	simm.s32 $0x0  }
.LBB2_4:
0x19: {  	s8 =	sshll.u32 s2, $0x7  }
0x1a: {  	s26 =	sadd.s32 s6, s8  }
0x1b: {  	s8 =	sshrl.u32 s26, $0x3  }
0x1c: {  	s9 =	sadd.s32 s4, s8  }
0x1d: {  	[tilespmem:s13], [sflag:$0x2] =	stream.linear.gather [hbm4b:s9+s0], $0x80, $0x38;
	[tilespmem:$0x17900] =	vst v63  }
0x1e: {  	_ =	swait.ge [sflag:s14], $0x80  }
0x1f: {  	[sflag:s14] =	ssyncset.done $0x0  }
0x20: {  	s8 =	sadd.s32 s5, s8;
	[sflag:s14] =	ssyncadd.s32 $0xFFFFFF80  }
0x21: {  	[tilespmem:s15], [sflag:$0x2] =	stream.linear.gather [hbm4b:s8+s0], $0x80, $0x38;
	[tilespmem:$0x17900] =	vst v63  }
0x22: {  	_ =	swait.ge [sflag:s14], $0x80  }
0x23: {  	[sflag:s14] =	ssyncset.done $0x0  }
0x24: {  	[sflag:s14] =	ssyncadd.s32 $0xFFFFFF80  }
0x25: {  	[tilespmem:s0], [sflag:$0x1] =	stream.indirect.gather [hbm4b:s3+s16], $0x80, s13, s16, $0xb8;
	[tilespmem:$0x17900] =	vst v63  }
0x26: {  	_ =	swait.ge [sflag:s17], $0x4000  }
0x27: {  	[sflag:s17] =	ssyncset.done $0x0  }
0x28: {  	[sflag:s17] =	ssyncadd.s32 $0xFFFFC000  }
0x29: {  	[tilespmem:s18], [sflag:$0x1] =	stream.indirect.gather [hbm4b:s3+s16], $0x80, s15, s16, $0xb8;
	[tilespmem:$0x17900] =	vst v63  }
0x2a: {  	_ =	swait.ge [sflag:s17], $0x4000  }
0x2b: {  	[sflag:s17] =	ssyncset.done $0x0  }
0x2c: {  	s28 =	simm.s32 $0x40;
	[sflag:s17] =	ssyncadd.s32 $0xFFFFC000  }
0x2d: {  	s29 =	simm.s32 $0x4040;
	v9 =	vld [tilespmem:s28+$0xFFFFFFC0]  }
0x2e: {  	v10 =	vld [tilespmem:s29+$0xFFFFFFD0]  }
0x2f: {  	v11 =	vld [tilespmem:s28+$0xFFFFFFD0]  }
0x30: {  	v12 =	vld [tilespmem:s29+$0xFFFFFFC0];
	_ =	sdelay $0x4  }
0x31: {  	v10 =	vmul.f32 v10, v11;
	v9 =	vmul.f32 v12, v9;
	_ =	sdelay $0x1  }
0x32: {  	v9 =	vadd.f32 v10, v9;
	_ =	sdelay $0x1  }
0x33: {  	[tilespmem:$0xDA00] =	vst v9  }
0x34: {  	v9 =	vld [tilespmem:s29+$0xFFFFFFF0]  }
0x35: {  	v10 =	vld [tilespmem:s28+$0xFFFFFFE0]  }
0x36: {  	v11 =	vld [tilespmem:s28+$0xFFFFFFF0]  }
0x37: {  	v59 =	vld [tilespmem:s29+$0xFFFFFFE0];
	_ =	sdelay $0x4  }
0x38: {  	v9 =	vmul.f32 v9, v11;
	v10 =	vmul.f32 v59, v10;
	_ =	sdelay $0x1  }
0x39: {  	v9 =	vadd.f32 v9, v10;
	_ =	sdelay $0x1  }
0x3a: {  	[tilespmem:$0xDA10] =	vst v9  }
0x3b: {  	v9 =	vld [tilespmem:s28+$0x0]  }
0x3c: {  	v10 =	vld [tilespmem:s29+$0x0]  }
0x3d: {  	v11 =	vld [tilespmem:s28+$0x10]  }
0x3e: {  	v60 =	vld [tilespmem:s29+$0x10];
	_ =	sdelay $0x4  }
0x3f: {  	v9 =	vmul.f32 v10, v9;
	v10 =	vmul.f32 v60, v11;
	_ =	sdelay $0x1  }
0x40: {  	v9 =	vadd.f32 v10, v9;
	_ =	sdelay $0x1  }
0x41: {  	[tilespmem:$0xDA20] =	vst v9  }
0x42: {  	v9 =	vld [tilespmem:s28+$0x20]  }
0x43: {  	v10 =	vld [tilespmem:s29+$0x30]  }
0x44: {  	v11 =	vld [tilespmem:s29+$0x20]  }
0x45: {  	v61 =	vld [tilespmem:s28+$0x30];
	_ =	sdelay $0x4  }
0x46: {  	v9 =	vmul.f32 v11, v9;
	v10 =	vmul.f32 v10, v61;
	_ =	sdelay $0x1  }
0x47: {  	v9 =	vadd.f32 v10, v9;
	_ =	sdelay $0x1  }
0x48: {  	[tilespmem:$0xDA30] =	vst v9  }
0x49: {  	v9 =	vld.idx.msk [tilespmem:v0+s19+$0x0], $0xffff;
	_ =	sdelay $0x1  }
0x4a: {  	v10 =	vld.idx.msk [tilespmem:v1+s19+$0x0], $0xffff;
	_ =	sdelay $0x1  }
0x4b: {  	v11 =	vld.idx.msk [tilespmem:v4+s19+$0x0], $0xffff  }
0x4c: {  	v9 =	vadd.f32 $0.0e+00, v9  }
0x4d: {  	v62 =	vld.idx.msk [tilespmem:v5+s19+$0x0], $0xffff  }
0x4e: {  	v9 =	vadd.f32 v10, v9;
	_ =	sdelay $0x1  }
0x4f: {  	v9 =	vadd.f32 v11, v9;
	_ =	sdelay $0x1  }
0x50: {  	v9 =	vadd.f32 v62, v9;
	_ =	sdelay $0x1  }
0x51: {  	[tilespmem:$0xDA80] =	vst v9  }
0x52: {  	v9 =	vld.idx.msk [tilespmem:v3+s20+$0x0], $0xffff;
	_ =	sdelay $0x1  }
0x53: {  	v10 =	vld.idx.msk [tilespmem:v6+s20+$0x0], $0xffff;
	_ =	sdelay $0x1  }
0x54: {  	v11 =	vld.idx.msk [tilespmem:v7+s20+$0x0], $0xffff  }
0x55: {  	v9 =	vadd.f32 $0.0e+00, v9  }
0x56: {  	v63 =	vld.idx.msk [tilespmem:v8+s20+$0x0], $0xffff  }
0x57: {  	v9 =	vadd.f32 v10, v9;
	_ =	sdelay $0x1  }
0x58: {  	v9 =	vadd.f32 v11, v9;
	_ =	sdelay $0x1  }
0x59: {  	v9 =	vadd.f32 v63, v9;
	_ =	sdelay $0x1  }
0x5a: {  	v9 =	vmul.f32 $1.442695020e+00, v9;
	_ =	sdelay $0x1  }
0x5b: {  	(erf) = vpow2.f32 v9;
	_ =	sdelay $0x6  }
0x5c: {  	v10 =	vmov s0;
	_ =	sdelay $0x1  }
0x5d: {  	v9 =	vpop (erf)  }
0x5e: {  	s30 =	simm.s32 $0x8000;
	v9 =	vnsel vm0, $0x0, v9  }
0x5f: {  	[tilespmem:s30+$0x0] =	vst v9  }
0x60: {  	s8 =	simm.s32 $0x1;
	v10 =	vld.idx.msk [tilespmem:v10+s15+$0x0], $0xffff  }
.LBB2_5:
0x61: {  	_ = 	snop  }
0x62: {  	s30 =	sadd.s32 $0x80, s30;
	s29 =	sadd.s32 $0x80, s29;
	s28 =	sadd.s32 $0x80, s28  }
0x63: {  	p0 =	sne.s32 s8, $0x7F;
	s9 =	smov.u32 s8;
	s8 =	sadd.s32 $0x1, s8  }
0x64: {  	_ = 	snop  }
0x65: {  	v10 =	vshll.u32 v10, $0x2  }
0x66: {  	v10 =	vor.u32 v3, v10;
	_ =	sdelay $0x4  }
0x67: {  	[tilespmem:v10+s21+$0x0] =	vst.idx.add.f32.msk $0xf, v9  }
0x68: {  	v9 =	vld [tilespmem:s28+$0xFFFFFFC0]  }
0x69: {  	v10 =	vld [tilespmem:s29+$0xFFFFFFD0]  }
0x6a: {  	v11 =	vld [tilespmem:s28+$0xFFFFFFD0]  }
0x6b: {  	v12 =	vld [tilespmem:s29+$0xFFFFFFC0];
	_ =	sdelay $0x3  }
0x6c: {  	v10 =	vmul.f32 v10, v11  }
0x6d: {  	v9 =	vmul.f32 v12, v9;
	_ =	sdelay $0x1  }
0x6e: {  	v9 =	vadd.f32 v10, v9;
	_ =	sdelay $0x1  }
0x6f: {  	[tilespmem:$0xDA00] =	vst v9  }
0x70: {  	v9 =	vld [tilespmem:s29+$0xFFFFFFF0]  }
0x71: {  	v10 =	vld [tilespmem:s28+$0xFFFFFFE0]  }
0x72: {  	v11 =	vld [tilespmem:s28+$0xFFFFFFF0]  }
0x73: {  	v12 =	vld [tilespmem:s29+$0xFFFFFFE0];
	_ =	sdelay $0x3  }
0x74: {  	v9 =	vmul.f32 v9, v11  }
0x75: {  	v10 =	vmul.f32 v12, v10;
	_ =	sdelay $0x1  }
0x76: {  	v9 =	vadd.f32 v9, v10;
	_ =	sdelay $0x1  }
0x77: {  	[tilespmem:$0xDA10] =	vst v9  }
0x78: {  	v9 =	vld [tilespmem:s28+$0x0]  }
0x79: {  	v10 =	vld [tilespmem:s29+$0x0]  }
0x7a: {  	v11 =	vld [tilespmem:s28+$0x10]  }
0x7b: {  	v12 =	vld [tilespmem:s29+$0x10];
	_ =	sdelay $0x2  }
0x7c: {  	v9 =	vmul.f32 v10, v9;
	_ =	sdelay $0x1  }
0x7d: {  	v10 =	vmul.f32 v12, v11;
	_ =	sdelay $0x1  }
0x7e: {  	v9 =	vadd.f32 v10, v9;
	_ =	sdelay $0x1  }
0x7f: {  	[tilespmem:$0xDA20] =	vst v9  }
0x80: {  	v9 =	vld [tilespmem:s28+$0x20]  }
0x81: {  	v10 =	vld [tilespmem:s29+$0x30]  }
0x82: {  	v11 =	vld [tilespmem:s29+$0x20]  }
0x83: {  	v12 =	vld [tilespmem:s28+$0x30];
	_ =	sdelay $0x3  }
0x84: {  	v9 =	vmul.f32 v11, v9  }
0x85: {  	v10 =	vmul.f32 v10, v12;
	_ =	sdelay $0x1  }
0x86: {  	v9 =	vadd.f32 v10, v9;
	_ =	sdelay $0x1  }
0x87: {  	[tilespmem:$0xDA30] =	vst v9  }
0x88: {  	v9 =	vld.idx.msk [tilespmem:v0+s19+$0x0], $0xffff  }
0x89: {  	v10 =	vld.idx.msk [tilespmem:v1+s19+$0x0], $0xffff;
	_ =	sdelay $0x1  }
0x8a: {  	v11 =	vld.idx.msk [tilespmem:v4+s19+$0x0], $0xffff;
	_ =	sdelay $0x1  }
0x8b: {  	v12 =	vld.idx.msk [tilespmem:v5+s19+$0x0], $0xffff  }
0x8c: {  	v9 =	vadd.f32 $0.0e+00, v9;
	_ =	sdelay $0x1  }
0x8d: {  	v9 =	vadd.f32 v10, v9;
	_ =	sdelay $0x1  }
0x8e: {  	v9 =	vadd.f32 v11, v9;
	_ =	sdelay $0x1  }
0x8f: {  	v9 =	vadd.f32 v12, v9;
	_ =	sdelay $0x1  }
0x90: {  	[tilespmem:$0xDA80] =	vst v9  }
0x91: {  	v9 =	vld.idx.msk [tilespmem:v3+s20+$0x0], $0xffff  }
0x92: {  	v10 =	vld.idx.msk [tilespmem:v6+s20+$0x0], $0xffff  }
0x93: {  	v11 =	vld.idx.msk [tilespmem:v7+s20+$0x0], $0xffff  }
0x94: {  	v12 =	vld.idx.msk [tilespmem:v8+s20+$0x0], $0xffff;
	_ =	sdelay $0x2  }
0x95: {  	v9 =	vadd.f32 $0.0e+00, v9;
	_ =	sdelay $0x1  }
0x96: {  	v9 =	vadd.f32 v10, v9;
	_ =	sdelay $0x1  }
0x97: {  	v9 =	vadd.f32 v11, v9;
	_ =	sdelay $0x1  }
0x98: {  	v9 =	vadd.f32 v12, v9;
	_ =	sdelay $0x1  }
0x99: {  	v9 =	vmul.f32 $1.442695020e+00, v9;
	_ =	sdelay $0x1  }
0x9a: {  	(erf) = vpow2.f32 v9;
	_ =	sdelay $0x5  }
0x9b: {  	v10 =	vmov s9;
	_ =	sdelay $0x1  }
.Ltmp1:
0x9c: {  	(pc) =	sbr.rel @p0 .LBB2_5-.Ltmp1, $4  }
0x9d: {  	v9 =	vpop (erf)  }
0x9e: {  	v9 =	vnsel vm0, $0x0, v9  }
0x9f: {  	[tilespmem:s30+$0x0] =	vst v9  }
0xa0: {  	v10 =	vld.idx.msk [tilespmem:v10+s15+$0x0], $0xffff  }
0xa1: {  	_ =	sdelay $0x3  }
0xa2: {  	v10 =	vshll.u32 v10, $0x2  }
0xa3: {  	v10 =	vor.u32 v3, v10;
	_ =	sdelay $0x2  }
0xa4: {  	s2 =	sadd.s32 $0x1, s2  }
0xa5: {  	s8 =	sshll.u32 s26, $0x4;
	p0 =	sne.s32 s2, $0x4E  }
.Ltmp2:
0xa6: {  	s8 =	sadd.s32 s7, s8;
	[tilespmem:v10+s21+$0x0] =	vst.idx.add.f32.msk $0xf, v9;
	(pc) =	sbr.rel @p0 .LBB2_4-.Ltmp2, $4  }
0xa7: {  	[hbm4b:s8+s1] =	stream.linear.scatter [tilespmem:s22], [sflag:$0x2], $0x4000, $0x38;
	[tilespmem:$0x17900] =	vst v63  }
0xa8: {  	_ =	swait.ge [sflag:s14], $0x4000  }
0xa9: {  	[sflag:s14] =	ssyncset.done $0x0  }
0xaa: {  	[sflag:s14] =	ssyncadd.s32 $0xFFFFC000  }
0xab: {  	s8 =	simm.s32 $0x0;
	s0 =	rddreg [dreg:$0x3]  }
0xac: {  	[tilespmem:s23], [sflag:$0x2] =	stream.linear.gather [hbm4b:s0+s8], $0x10, $0x38;
	[tilespmem:$0x17900] =	vst v63  }
0xad: {  	_ =	swait.ge [sflag:s14], $0x10  }
0xae: {  	[sflag:s14] =	ssyncset.done $0x0  }
0xaf: {  	s28 =	rddreg [dreg:$0x4];
	[sflag:s14] =	ssyncadd.s32 $0xFFFFFFF0  }
0xb0: {  	[tilespmem:s24], [sflag:$0x2] =	stream.linear.gather [hbm4b:s28+s8], $0x10, $0x38;
	[tilespmem:$0x17900] =	vst v63  }
0xb1: {  	_ =	swait.ge [sflag:s14], $0x10  }
0xb2: {  	[sflag:s14] =	ssyncset.done $0x0  }
0xb3: {  	s29 =	simm.s32 $0xC100;
	[sflag:s14] =	ssyncadd.s32 $0xFFFFFFF0  }
0xb4: {  	[tilespmem:s29], [sflag:$0x1] =	stream.indirect.gather [hbm4b:s3+s25], $0x80, s23, s25, $0xb8;
	[tilespmem:$0x17900] =	vst v63  }
0xb5: {  	_ =	swait.ge [sflag:s17], $0x800  }
0xb6: {  	[sflag:s17] =	ssyncset.done $0x0  }
0xb7: {  	s30 =	simm.s32 $0xC900;
	[sflag:s17] =	ssyncadd.s32 $0xFFFFF800  }
0xb8: {  	[tilespmem:s30], [sflag:$0x1] =	stream.indirect.gather [hbm4b:s3+s25], $0x80, s24, s25, $0xb8;
	[tilespmem:$0x17900] =	vst v63  }
0xb9: {  	_ =	swait.ge [sflag:s17], $0x800  }
0xba: {  	[sflag:s17] =	ssyncset.done $0x0  }
0xbb: {  	s0 =	simm.s32 $0xC140;
	[sflag:s17] =	ssyncadd.s32 $0xFFFFF800  }
0xbc: {  	s2 =	simm.s32 $0xC940;
	v9 =	vld [tilespmem:s0+$0xFFFFFFC0]  }
0xbd: {  	v10 =	vld [tilespmem:s2+$0xFFFFFFD0]  }
0xbe: {  	v11 =	vld [tilespmem:s0+$0xFFFFFFD0]  }
0xbf: {  	v12 =	vld [tilespmem:s2+$0xFFFFFFC0];
	_ =	sdelay $0x4  }
0xc0: {  	v10 =	vmul.f32 v10, v11;
	v9 =	vmul.f32 v12, v9;
	_ =	sdelay $0x1  }
0xc1: {  	v9 =	vadd.f32 v10, v9;
	_ =	sdelay $0x1  }
0xc2: {  	[tilespmem:$0xDA00] =	vst v9  }
0xc3: {  	v9 =	vld [tilespmem:s2+$0xFFFFFFF0]  }
0xc4: {  	v10 =	vld [tilespmem:s0+$0xFFFFFFE0]  }
0xc5: {  	v11 =	vld [tilespmem:s0+$0xFFFFFFF0]  }
0xc6: {  	v59 =	vld [tilespmem:s2+$0xFFFFFFE0];
	_ =	sdelay $0x4  }
0xc7: {  	v9 =	vmul.f32 v9, v11;
	v10 =	vmul.f32 v59, v10;
	_ =	sdelay $0x1  }
0xc8: {  	v9 =	vadd.f32 v9, v10;
	_ =	sdelay $0x1  }
0xc9: {  	[tilespmem:$0xDA10] =	vst v9  }
0xca: {  	v9 =	vld [tilespmem:s0+$0x0]  }
0xcb: {  	v10 =	vld [tilespmem:s2+$0x0]  }
0xcc: {  	v11 =	vld [tilespmem:s0+$0x10]  }
0xcd: {  	v60 =	vld [tilespmem:s2+$0x10];
	_ =	sdelay $0x4  }
0xce: {  	v9 =	vmul.f32 v10, v9;
	v10 =	vmul.f32 v60, v11;
	_ =	sdelay $0x1  }
0xcf: {  	v9 =	vadd.f32 v10, v9;
	_ =	sdelay $0x1  }
0xd0: {  	[tilespmem:$0xDA20] =	vst v9  }
0xd1: {  	v9 =	vld [tilespmem:s0+$0x20]  }
0xd2: {  	v10 =	vld [tilespmem:s2+$0x30]  }
0xd3: {  	v11 =	vld [tilespmem:s2+$0x20]  }
0xd4: {  	v61 =	vld [tilespmem:s0+$0x30];
	_ =	sdelay $0x4  }
0xd5: {  	v9 =	vmul.f32 v11, v9;
	v10 =	vmul.f32 v10, v61;
	_ =	sdelay $0x1  }
0xd6: {  	v9 =	vadd.f32 v10, v9;
	_ =	sdelay $0x1  }
0xd7: {  	[tilespmem:$0xDA30] =	vst v9  }
0xd8: {  	v9 =	vld.idx.msk [tilespmem:v0+s19+$0x0], $0xffff;
	_ =	sdelay $0x1  }
0xd9: {  	v10 =	vld.idx.msk [tilespmem:v1+s19+$0x0], $0xffff;
	_ =	sdelay $0x1  }
0xda: {  	v11 =	vld.idx.msk [tilespmem:v4+s19+$0x0], $0xffff  }
0xdb: {  	v9 =	vadd.f32 $0.0e+00, v9  }
0xdc: {  	v62 =	vld.idx.msk [tilespmem:v5+s19+$0x0], $0xffff  }
0xdd: {  	v9 =	vadd.f32 v10, v9;
	_ =	sdelay $0x1  }
0xde: {  	v9 =	vadd.f32 v11, v9;
	_ =	sdelay $0x1  }
0xdf: {  	v9 =	vadd.f32 v62, v9;
	_ =	sdelay $0x1  }
0xe0: {  	[tilespmem:$0xDA80] =	vst v9  }
0xe1: {  	v9 =	vld.idx.msk [tilespmem:v3+s20+$0x0], $0xffff;
	_ =	sdelay $0x1  }
0xe2: {  	v10 =	vld.idx.msk [tilespmem:v6+s20+$0x0], $0xffff;
	_ =	sdelay $0x1  }
0xe3: {  	v11 =	vld.idx.msk [tilespmem:v7+s20+$0x0], $0xffff  }
0xe4: {  	v9 =	vadd.f32 $0.0e+00, v9  }
0xe5: {  	v63 =	vld.idx.msk [tilespmem:v8+s20+$0x0], $0xffff  }
0xe6: {  	v9 =	vadd.f32 v10, v9;
	_ =	sdelay $0x1  }
0xe7: {  	v9 =	vadd.f32 v11, v9;
	_ =	sdelay $0x1  }
0xe8: {  	v9 =	vadd.f32 v63, v9;
	_ =	sdelay $0x1  }
0xe9: {  	v9 =	vmul.f32 $1.442695020e+00, v9;
	_ =	sdelay $0x1  }
0xea: {  	(erf) = vpow2.f32 v9;
	_ =	sdelay $0x6  }
0xeb: {  	v10 =	vmov s8;
	_ =	sdelay $0x1  }
0xec: {  	v9 =	vpop (erf)  }
0xed: {  	s26 =	simm.s32 $0xD100;
	v9 =	vnsel vm0, $0x0, v9  }
0xee: {  	[tilespmem:s26+$0x0] =	vst v9  }
0xef: {  	s8 =	simm.s32 $0x1;
	v10 =	vld.idx.msk [tilespmem:v10+s24+$0x0], $0xffff  }
.LBB2_8:
0xf0: {  	_ = 	snop  }
0xf1: {  	s26 =	sadd.s32 $0x80, s26;
	s2 =	sadd.s32 $0x80, s2;
	s0 =	sadd.s32 $0x80, s0  }
0xf2: {  	p0 =	sne.s32 s8, $0xF;
	s9 =	smov.u32 s8;
	s8 =	sadd.s32 $0x1, s8  }
0xf3: {  	_ = 	snop  }
0xf4: {  	v10 =	vshll.u32 v10, $0x2  }
0xf5: {  	v10 =	vor.u32 v3, v10;
	_ =	sdelay $0x4  }
0xf6: {  	[tilespmem:v10+s21+$0x0] =	vst.idx.add.f32.msk $0xf, v9  }
0xf7: {  	v9 =	vld [tilespmem:s0+$0xFFFFFFC0]  }
0xf8: {  	v10 =	vld [tilespmem:s2+$0xFFFFFFD0]  }
0xf9: {  	v11 =	vld [tilespmem:s0+$0xFFFFFFD0]  }
0xfa: {  	v12 =	vld [tilespmem:s2+$0xFFFFFFC0];
	_ =	sdelay $0x3  }
0xfb: {  	v10 =	vmul.f32 v10, v11  }
0xfc: {  	v9 =	vmul.f32 v12, v9;
	_ =	sdelay $0x1  }
0xfd: {  	v9 =	vadd.f32 v10, v9;
	_ =	sdelay $0x1  }
0xfe: {  	[tilespmem:$0xDA00] =	vst v9  }
0xff: {  	v9 =	vld [tilespmem:s2+$0xFFFFFFF0]  }
0x100: {  	v10 =	vld [tilespmem:s0+$0xFFFFFFE0]  }
0x101: {  	v11 =	vld [tilespmem:s0+$0xFFFFFFF0]  }
0x102: {  	v12 =	vld [tilespmem:s2+$0xFFFFFFE0];
	_ =	sdelay $0x3  }
0x103: {  	v9 =	vmul.f32 v9, v11  }
0x104: {  	v10 =	vmul.f32 v12, v10;
	_ =	sdelay $0x1  }
0x105: {  	v9 =	vadd.f32 v9, v10;
	_ =	sdelay $0x1  }
0x106: {  	[tilespmem:$0xDA10] =	vst v9  }
0x107: {  	v9 =	vld [tilespmem:s0+$0x0]  }
0x108: {  	v10 =	vld [tilespmem:s2+$0x0]  }
0x109: {  	v11 =	vld [tilespmem:s0+$0x10]  }
0x10a: {  	v12 =	vld [tilespmem:s2+$0x10];
	_ =	sdelay $0x2  }
0x10b: {  	v9 =	vmul.f32 v10, v9;
	_ =	sdelay $0x1  }
0x10c: {  	v10 =	vmul.f32 v12, v11;
	_ =	sdelay $0x1  }
0x10d: {  	v9 =	vadd.f32 v10, v9;
	_ =	sdelay $0x1  }
0x10e: {  	[tilespmem:$0xDA20] =	vst v9  }
0x10f: {  	v9 =	vld [tilespmem:s0+$0x20]  }
0x110: {  	v10 =	vld [tilespmem:s2+$0x30]  }
0x111: {  	v11 =	vld [tilespmem:s2+$0x20]  }
0x112: {  	v12 =	vld [tilespmem:s0+$0x30];
	_ =	sdelay $0x3  }
0x113: {  	v9 =	vmul.f32 v11, v9  }
0x114: {  	v10 =	vmul.f32 v10, v12;
	_ =	sdelay $0x1  }
0x115: {  	v9 =	vadd.f32 v10, v9;
	_ =	sdelay $0x1  }
0x116: {  	[tilespmem:$0xDA30] =	vst v9  }
0x117: {  	v9 =	vld.idx.msk [tilespmem:v0+s19+$0x0], $0xffff  }
0x118: {  	v10 =	vld.idx.msk [tilespmem:v1+s19+$0x0], $0xffff;
	_ =	sdelay $0x1  }
0x119: {  	v11 =	vld.idx.msk [tilespmem:v4+s19+$0x0], $0xffff;
	_ =	sdelay $0x1  }
0x11a: {  	v12 =	vld.idx.msk [tilespmem:v5+s19+$0x0], $0xffff  }
0x11b: {  	v9 =	vadd.f32 $0.0e+00, v9;
	_ =	sdelay $0x1  }
0x11c: {  	v9 =	vadd.f32 v10, v9;
	_ =	sdelay $0x1  }
0x11d: {  	v9 =	vadd.f32 v11, v9;
	_ =	sdelay $0x1  }
0x11e: {  	v9 =	vadd.f32 v12, v9;
	_ =	sdelay $0x1  }
0x11f: {  	[tilespmem:$0xDA80] =	vst v9  }
0x120: {  	v9 =	vld.idx.msk [tilespmem:v3+s20+$0x0], $0xffff  }
0x121: {  	v10 =	vld.idx.msk [tilespmem:v6+s20+$0x0], $0xffff  }
0x122: {  	v11 =	vld.idx.msk [tilespmem:v7+s20+$0x0], $0xffff  }
0x123: {  	v12 =	vld.idx.msk [tilespmem:v8+s20+$0x0], $0xffff;
	_ =	sdelay $0x2  }
0x124: {  	v9 =	vadd.f32 $0.0e+00, v9;
	_ =	sdelay $0x1  }
0x125: {  	v9 =	vadd.f32 v10, v9;
	_ =	sdelay $0x1  }
0x126: {  	v9 =	vadd.f32 v11, v9;
	_ =	sdelay $0x1  }
0x127: {  	v9 =	vadd.f32 v12, v9;
	_ =	sdelay $0x1  }
0x128: {  	v9 =	vmul.f32 $1.442695020e+00, v9;
	_ =	sdelay $0x1  }
0x129: {  	(erf) = vpow2.f32 v9;
	_ =	sdelay $0x5  }
0x12a: {  	v10 =	vmov s9;
	_ =	sdelay $0x1  }
.Ltmp3:
0x12b: {  	(pc) =	sbr.rel @p0 .LBB2_8-.Ltmp3, $4  }
0x12c: {  	v9 =	vpop (erf)  }
0x12d: {  	v9 =	vnsel vm0, $0x0, v9  }
0x12e: {  	[tilespmem:s26+$0x0] =	vst v9  }
0x12f: {  	v10 =	vld.idx.msk [tilespmem:v10+s24+$0x0], $0xffff  }
0x130: {  	_ =	sdelay $0x3  }
0x131: {  	v10 =	vshll.u32 v10, $0x2  }
0x132: {  	v10 =	vor.u32 v3, v10;
	_ =	sdelay $0x4  }
0x133: {  	s0 =	simm.s32 $0xD100;
	[tilespmem:v10+s21+$0x0] =	vst.idx.add.f32.msk $0xf, v9  }
0x134: {  	[hbm4b:s10+s1] =	stream.linear.scatter [tilespmem:s0], [sflag:$0x2], $0x800, $0x38;
	[tilespmem:$0x17900] =	vst v63  }
0x135: {  	s31 =	sadd.s32 $0x1, s31;
	_ =	swait.ge [sflag:s14], $0x800  }
0x136: {  	p0 =	sne.s32 s31, s12;
	[sflag:s14] =	ssyncset.done $0x0  }
.Ltmp4:
0x137: {  	s30 =	simm.s32 $0x400;
	[sflag:s14] =	ssyncadd.s32 $0xFFFFF800;
	(pc) =	sbr.rel @p0 .LBB2_1-.Ltmp4, $4  }
0x138: {  	[hbm4b:s11+s16] =	stream.strided.scatter [tilespmem:s21], [sflag:$0x2], $0x9E00, s30, s16, $0x38;
	[tilespmem:$0x17900] =	vst v63  }
0x139: {  	_ =	swait.ge [sflag:s14], $0x9E00  }
0x13a: {  	[sflag:s14] =	ssyncset.done $0x0  }
0x13b: {  	[sflag:s14] =	ssyncadd.s32 $0xFFFF6200  }
0x13c: {  	_ =	sfence.sel $0x180000  }
0x13d: {  	[bflag:$0x0] =	sbarrier.arrive $0xFFFF  }
0x13e: {  	_ =	strace $0x90000047  }
0x13f: {  	s0 =	stileid.u32;
	[bflag:$0x2] =	sbarrier.arrive $0xFFFF  }
0x140: {  	p0 =	sne.s32 s0, $0x0;
	s0 =	rddreg [dreg:$0x2]  }
0x141: {  	s0 =	sadd.s32 @!p0 $0x100000, s0  }
0x142: {  	[sflag:s0] =	ssyncadd.tile.s32 @!p0 $0x1;
	_ =	shalt  }
.Lfunc_end2:
_tile_overlayer_lowered:
.L_overlay_start_2:
0x143: {  	(tag) =	ssettag $0x2  }
0x144: {  	s0 =	rddreg [dreg:$0x0];
	s2 =	stileid.u32  }
0x145: {  	s1 =	rddreg [dreg:$0x1];
	p0 =	sne.s32 s2, $0x0  }
0x146: {  	s3 =	rddreg [dreg:$0x2];
	[bflag:$0x3] =	sbarrier.arrive $0xFFFF;
	s2 =	simm.s32 @!p0 $0x1C02  }
0x147: {  	[timem:s3], [sflag:s2] =	dma.local @!p0 [hbm:s0], s1  }
0x148: {  	s0 =	simm.s32 @!p0 $0x2  }
0x149: {  	_ =	swait.ge @!p0 [sflag:s0], s1  }
0x14a: {  	s1 =	ssub.s32 @!p0 $0x0, s1;
	[sflag:s0] =	ssyncset.done @!p0 $0x0  }
0x14b: {  	[sflag:s0] =	ssyncadd.s32 @!p0 s1  }
0x14c: {  	[bflag:$0x3] =	sbarrier.arrive $0xFFFF  }
0x14d: {  	_ =	shalt  }

// kernel: kernel.9.cloned.1.call-start
scs
__scs_entry_jumppad:
0x0: {  	(pc) =	sbr.rel $0x88, $3  }
0x1: {  	(tag) =	ssettag $0x0;
	lr =	simm.s32 $0x1  }
0x2: {  	[smem:$0x3F9D] =	sst lr;
	_ =	strace $0xD0000000  }
0x3: {  	_ = 	snop  }
0x4: {  	_ = 	snop  }
0x5: {  	_ = 	snop  }
0x6: {  	_ = 	snop  }
0x7: {  	_ = 	snop  }
__scs_overlays_trampoline_lowered:
0x8: {  	[smem:$0x3FAC] =	sst s0  }
0x9: {  	[smem:$0x3FAD] =	sst s1  }
0xa: {  	[smem:$0x3FAE] =	sst s2  }
0xb: {  	[smem:$0x3FAF] =	sst s3  }
0xc: {  	[smem:$0x3FB0] =	sst s4  }
0xd: {  	[smem:$0x3FB1] =	sst s5  }
0xe: {  	[smem:$0x3FB2] =	sst s6  }
0xf: {  	[smem:$0x3FB3] =	sst s7  }
0x10: {  	[smem:$0x3FB4] =	sst s8  }
0x11: {  	[smem:$0x3FB5] =	sst s9;
	s0 =	simm.s32 @!p0 $0x0  }
0x12: {  	s1 =	sld [smem:$0x3F9B];
	s0 =	simm.s32 @p0 $0x1  }
0x13: {  	[smem:$0x3FB6] =	sst s0;
	s0 =	simm.s32 @!p1 $0x0  }
0x14: {  	s2 =	sld [smem:$0x3F9A];
	s0 =	simm.s32 @p1 $0x1  }
0x15: {  	[smem:$0x3FB7] =	sst s0;
	s0 =	simm.s32 @!p2 $0x0  }
0x16: {  	s3 =	sld [smem:$0x3FDB];
	s0 =	simm.s32 @p2 $0x1  }
0x17: {  	s4 =	simm.s32 $0x1BF5;
	[smem:$0x3FB9] =	sst s0  }
0x18: {  	s0 =	sld [smem:$0x3F9C];
	_ =	swait.ge [sflag:s4], $0x0  }
0x19: {  	s7 =	sld [smem:$0x3F9D]  }
0x1a: {  	s8 =	sadd.s32 $0xFFFFE003, lr  }
0x1b: {  	s9 =	sadd.s32 $0xFFFFFEF7, lr;
	s5 =	simm.s32 $0xFFFFFFFF;
	p2 =	slt.u32 s8, $0xFFFFF086  }
0x1c: {  	p1 =	slt.u32 s9, $0xF7A;
	s5 =	simm.s32 @!p2 $0x0  }
0x1d: {  	s5 =	simm.s32 @p1 $0x1;
	p0 =	seq.s32 s7, s2  }
0x1e: {  	s7 =	smul.u32 @!p0 $0xF7A, s2;
	p2 =	seq.s32 @!p0 s5, $0x0  }
0x1f: {  	s9 =	smul.u32 $0xF7A, s1;
	s8 =	simm.s32 @!p0 $0x1BF5;
	p2 =	por !p2, p0  }
0x20: {  	[sflag:s8] =	ssyncset.s32 @!p0 $0xFFFFF086;
	s6 =	sadd.s32 @!p0 s3, s7;
	s7 =	simm.s32 @!p0 $0x108  }
0x21: {  	s3 =	sadd.s32 s3, s9;
	s6 =	sadd.s32 @!p0 $0x88, s6;
	s7 =	simm.s32 @p2 $0x1082  }
0x22: {  	[simem:s7], [sflag:s8] =	dma.local @!p0 [hbm:s6], $0xF7A  }
0x23: {  	s9 =	sor.u32 $0xD0000000, s2;
	s6 =	simm.s32 $0x108;
	_ =	swait.ge @!p0 [sflag:s8], $0x0  }
0x24: {  	s3 =	sadd.s32 $0x88, s3;
	s6 =	simm.s32 @!p1 $0x1082;
	[sflag:s4] =	ssyncset.s32 $0xFFFFF086  }
0x25: {  	[simem:s6], [sflag:s4] =	dma.local [hbm:s3], $0xF7A  }
0x26: {  	[smem:$0x3F9D] =	sst s1;
	(tag) =	ssettag s2;
	_ =	strace s9  }
0x27: {  	s1 =	sld [smem:$0x3FAD]  }
0x28: {  	s2 =	sld [smem:$0x3FAE]  }
0x29: {  	s4 =	sld [smem:$0x3FB0]  }
0x2a: {  	p0 =	seq.s32 s5, $0x0;
	s5 =	sld [smem:$0x3FB1]  }
0x2b: {  	s6 =	sld [smem:$0x3FB2]  }
0x2c: {  	s7 =	sld [smem:$0x3FB3]  }
0x2d: {  	s3 =	simm.s32 $0x108;
	s8 =	sld [smem:$0x3FB4]  }
0x2e: {  	s3 =	simm.s32 @!p0 $0x1082;
	s9 =	sld [smem:$0x3FB5]  }
0x2f: {  	lr =	sadd.s32 s0, s3;
	s0 =	sld [smem:$0x3FAC]  }
0x30: {  	s3 =	sld [smem:$0x3FAF]  }
0x31: {  	[smem:$0x3FB8] =	sst s10  }
0x32: {  	s10 =	sld [smem:$0x3FB6];
	_ =	sdelay $0x3  }
0x33: {  	p0 =	seq.s32 s10, $0x1;
	s10 =	sld [smem:$0x3FB8];
	_ =	sdelay $0x3  }
0x34: {  	[smem:$0x3FB8] =	sst s10  }
0x35: {  	s10 =	sld [smem:$0x3FB7];
	_ =	sdelay $0x3  }
0x36: {  	p1 =	seq.s32 s10, $0x1;
	s10 =	sld [smem:$0x3FB8];
	_ =	sdelay $0x3  }
0x37: {  	[smem:$0x3FB8] =	sst s10  }
0x38: {  	s10 =	sld [smem:$0x3FB9]  }
0x39: {  	_ = 	snop;
	(pc) =	sbr.ind lr, $3  }
0x3a: {  	_ = 	snop  }
0x3b: {  	_ = 	snop  }
0x3c: {  	p2 =	seq.s32 s10, $0x1;
	s10 =	sld [smem:$0x3FB8]  }
0x3d: {  	_ =	shalt  }
0x3e: {  	_ =	shalt  }
0x3f: {  	_ =	shalt  }
0x40: {  	_ =	shalt  }
0x41: {  	_ =	shalt  }
0x42: {  	_ =	shalt  }
0x43: {  	_ =	shalt  }
0x44: {  	_ =	shalt  }
0x45: {  	_ =	shalt  }
0x46: {  	_ =	shalt  }
0x47: {  	_ =	shalt  }
0x48: {  	_ =	shalt  }
0x49: {  	_ =	shalt  }
0x4a: {  	_ =	shalt  }
0x4b: {  	_ =	shalt  }
0x4c: {  	_ =	shalt  }
0x4d: {  	_ =	shalt  }
0x4e: {  	_ =	shalt  }
0x4f: {  	_ =	shalt  }
0x50: {  	_ =	shalt  }
0x51: {  	_ =	shalt  }
0x52: {  	_ =	shalt  }
0x53: {  	_ =	shalt  }
0x54: {  	_ =	shalt  }
0x55: {  	_ =	shalt  }
0x56: {  	_ =	shalt  }
0x57: {  	_ =	shalt  }
0x58: {  	_ =	shalt  }
0x59: {  	_ =	shalt  }
0x5a: {  	_ =	shalt  }
0x5b: {  	_ =	shalt  }
0x5c: {  	_ =	shalt  }
0x5d: {  	_ =	shalt  }
0x5e: {  	_ =	shalt  }
0x5f: {  	_ =	shalt  }
0x60: {  	_ =	shalt  }
0x61: {  	_ =	shalt  }
0x62: {  	_ =	shalt  }
0x63: {  	_ =	shalt  }
0x64: {  	_ =	shalt  }
0x65: {  	_ =	shalt  }
0x66: {  	_ =	shalt  }
0x67: {  	_ =	shalt  }
0x68: {  	_ =	shalt  }
0x69: {  	_ =	shalt  }
0x6a: {  	_ =	shalt  }
0x6b: {  	_ =	shalt  }
0x6c: {  	_ =	shalt  }
0x6d: {  	_ =	shalt  }
0x6e: {  	_ =	shalt  }
0x6f: {  	_ =	shalt  }
0x70: {  	_ =	shalt  }
0x71: {  	_ =	shalt  }
0x72: {  	_ =	shalt  }
0x73: {  	_ =	shalt  }
0x74: {  	_ =	shalt  }
0x75: {  	_ =	shalt  }
0x76: {  	_ =	shalt  }
0x77: {  	_ =	shalt  }
0x78: {  	_ =	shalt  }
0x79: {  	_ =	shalt  }
0x7a: {  	_ =	shalt  }
0x7b: {  	_ =	shalt  }
0x7c: {  	_ =	shalt  }
0x7d: {  	_ =	shalt  }
0x7e: {  	_ =	shalt  }
0x7f: {  	_ =	shalt  }
0x80: {  	_ =	shalt  }
0x81: {  	_ =	shalt  }
0x82: {  	_ =	shalt  }
0x83: {  	_ =	shalt  }
0x84: {  	_ =	shalt  }
0x85: {  	_ =	shalt  }
0x86: {  	_ =	shalt  }
0x87: {  	_ =	shalt  }
.Lfunc_end0:
.L_simem_size_0:
called_computation.1_lowered:
.L_overlay_start_0:
0x88: {  	s2 =	sld [smem:$0x3FD9]  }
0x89: {  	s3 =	sld [smem:$0x3FFE];
	_ =	sdelay $0x1  }
0x8a: {  	s1 =	srdreg.scid  }
0x8b: {  	s0 =	sand.u32 $0x1, s1  }
0x8c: {  	s16 =	sshll.u32 s0, $0xA;
	s2 =	sadd.s32 s3, s2  }
0x8d: {  	s2 =	sadd.s32 s2, s16  }
0x8e: {  	[smem:$0x3FC4] =	sst s2  }
0x8f: {  	_ = 	snop  }
0x90: {  	(tm) =	ssettm $0x1  }
0x91: {  	s17 =	sld [smem:$0x3FFB];
	_ =	sdelay $0x3  }
0x92: {  	_ =	strace s17  }
0x93: {  	s2 =	sld [smem:$0x3FFC];
	_ =	sdelay $0x3  }
0x94: {  	_ =	strace s2  }
0x95: {  	s2 =	sld [smem:$0x3FFD];
	_ =	sdelay $0x3  }
0x96: {  	_ =	strace s2  }
0x97: {  	_ =	strace $0x8FFFFFFF  }
0x98: {  	s18 =	sld [smem:$0x3FDB];
	_ =	sdelay $0x1  }
0x99: {  	s19 =	simm.s32 $_scs_section_size  }
0x9a: {  	s4 =	simm.s32 $_size__tile_overlayer_lowered;
	s5 =	simm.s32 $_tile_overlayer_lowered  }
0x9b: {  	s22 =	simm.s32 $0x1BFF;
	s21 =	sshll.u32 s5, $0x1;
	s2 =	sadd.s32 s19, s18  }
0x9c: {  	s6 =	simm.s32 $0x0;
	s20 =	sshll.u32 s4, $0x1;
	s4 =	sadd.s32 s21, s2  }
0x9d: {  	[timem:s6], [sflag:s22] =	dma.local [hbm:s4], s20  }
0x9e: {  	_ =	swait.ge [sflag:s22], s20  }
0x9f: {  	s3 =	ssub.s32 $0x0, s20;
	[sflag:s22] =	ssyncset.done $0x0  }
0xa0: {  	[sflag:s22] =	ssyncadd.s32 s3;
	_ =	sdelay $0x1  }
0xa1: {  	s23 =	simm.s32 $0x1B8B  }
0xa2: {  	_ =	swait.ge [sflag:s23], $0x1  }
0xa3: {  	[sflag:s23] =	ssyncset.done $0x0  }
0xa4: {  	s25 =	simm.s32 $0x1B8E;
	s24 =	sld [smem:$0x3FFE];
	[sflag:s23] =	ssyncadd.s32 $0xFFFFFFFF  }
0xa5: {  	s26 =	simm.s32 $execute0_lowered;
	[smem:$0x3FD2] =	sst s25  }
0xa6: {  	s4 =	sshll.u32 s26, $0x1;
	_ =	strace $0x80000049;
	[dreg:$0x1] =	wrdreg $0xFFFFFFFF  }
0xa7: {  	s28 =	simm.s32 $_size_execute0_lowered;
	s2 =	sadd.s32 s2, s4;
	[dreg:$0x0] =	wrdreg $0x0  }
0xa8: {  	s4 =	sshll.u32 s28, $0x1;
	[dreg:$0x2] =	wrdreg s2  }
0xa9: {  	[dreg:$0x3] =	wrdreg s4  }
0xaa: {  	[dreg:$0x4] =	wrdreg $0xC0  }
0xab: {  	_ =	task [dreg:s6], $0x5FFFF  }
0xac: {  	[dreg:$0x1] =	wrdreg $0xFFFFFFFF  }
0xad: {  	[dreg:$0x0] =	wrdreg $0x60  }
0xae: {  	[dreg:$0x2] =	wrdreg s24  }
0xaf: {  	[dreg:$0x3] =	wrdreg $0x92800  }
0xb0: {  	[dreg:$0x4] =	wrdreg $0x9  }
0xb1: {  	_ =	task.clear_ibuf [dreg:s6], $0x5FFFF;
	_ =	strace $0x90000049  }
0xb2: {  	s29 =	simm.s32 $0x9;
	_ =	strace $0x8000004B  }
0xb3: {  	_ =	swait.ge [sflag:s29], $0x1  }
0xb4: {  	[sflag:s29] =	ssyncadd.s32 $0xFFFFFFFF  }
0xb5: {  	_ =	strace $0x9000004B  }
0xb6: {  	_ =	sfence  }
0xb7: {  	s30 =	sld [smem:$0x0];
	_ =	sdelay $0x2  }
0xb8: {  	s31 =	sshll.u32 s1, $0xD;
	s1 =	sshrl.u32 s1, $0x2  }
0xb9: {  	s3 =	sand.u32 $0x4000, s31;
	s1 =	sadd.s32 s1, s30  }
0xba: {  	s0 =	sor.u32 s3, s0;
	s1 =	sshll.u32 s1, $0x11  }
0xbb: {  	s0 =	sor.u32 s1, s0  }
0xbc: {  	s0 =	sadd.s32 $0x8F2B, s0  }
0xbd: {  	[sflag:s0] =	ssyncadd.remote.s32 $0x1  }
0xbe: {  	_ =	sfence.sel $0xFFFF  }
0xbf: {  	[dreg:$0x0] =	wrdreg $0xFFFFFFFF;
	(pc) =	sbr.abs _section_cstart, $3  }
0xc0: {  	[dreg:$0x1] =	wrdreg $0xFFFFFFFF  }
0xc1: {  	_ =	task.clear_ibuf [dreg:s6], $0x2FFFF;
	_ =	strace $0x9FFFFFFF  }
0xc2: {  	(tm) =	ssettm $0x7FFFFFFF  }
0xc3: {  	_ =	shalt  }
tec
execute0_lowered:
.L_overlay_start_1:
0x0: {  	(tag) =	ssettag $0x1  }
0x1: {  	s0 =	rddreg [dreg:$0x0]  }
0x2: {  	s1 =	rddreg [dreg:$0x1];
	s2 =	srdreg.scid;
	s3 =	simm.s32 $0x0  }
0x3: {  	s11 =	stileid.u32;
	s28 =	simm.s32 $0x9180;
	s29 =	simm.s32 $0x10  }
0x4: {  	s30 =	simm.s32 $0x8100;
	s31 =	simm.s32 $0x0;
	s2 =	sand.u32 $0x1, s2  }
0x5: {  	[smem:$0x7FF] =	sst s3;
	s8 =	smul.u32 $0x13C00, s11;
	s4 =	sadd.s32 $0x14C00, s0  }
0x6: {  	s5 =	sadd.s32 $0xAE00, s0;
	s6 =	sadd.s32 $0x1000, s0;
	s9 =	smul.u32 $0x4F000, s11  }
0x7: {  	s7 =	smul.u32 $0x13C000, s2;
	_ =	strace $0x8000004A;
	s19 =	sshll.u32 s2, $0x4  }
0x8: {  	s2 =	ssub.s32 $0x2, s2;
	s11 =	sor.u32 s11, s19;
	s20 =	sshrl.u32 s9, $0x2  }
0x9: {  	s12 =	sshrl.u32 s2, $0x1;
	s19 =	simm.s32 $0x2;
	s8 =	sadd.s32 s8, s7  }
0xa: {  	s7 =	sadd.s32 $0x3BE00, s0;
	s10 =	sshrl.u32 s8, $0x3;
	s8 =	sadd.s32 s20, s1  }
0xb: {  	s9 =	smul.u32 $0x2710, s11;
	s2 =	ssub.s32 s2, s12;
	s21 =	sadd.s32 $0x4000, s8  }
0xc: {  	s18 =	smax.u32 s2, $0x1;
	s22 =	sadd.s32 $0x8000, s8;
	[dreg:$0x3] =	wrdreg s21  }
0xd: {  	s20 =	simm.s32 $0x8000;
	s23 =	sadd.s32 $0xC000, s8;
	[dreg:$0x4] =	wrdreg s22  }
0xe: {  	s24 =	sadd.s32 $0x2700, s9;
	s25 =	sadd.s32 $0x10000, s8;
	[dreg:$0x5] =	wrdreg s23  }
0xf: {  	s0 =	sadd.s32 s10, s0;
	[dreg:$0x6] =	wrdreg s25;
	s26 =	sshrl.u32 s24, $0x3  }
0x10: {  	s10 =	sshll.u32 s24, $0x4;
	s17 =	sadd.s32 $0x51DE00, s0;
	s21 =	simm.s32 $0x8080  }
0x11: {  	s22 =	simm.s32 $0x80;
	s23 =	simm.s32 $0x1;
	s24 =	simm.s32 $0x4000  }
0x12: {  	v0 =	vimm.f32 $0.0e+00;
	s25 =	simm.s32 $0x9200;
	s0 =	simm.s32 $0x0;
	s14 =	sadd.s32 s5, s26  }
0x13: {  	v1 =	vimm.s32 $0x1;
	v2 =	vimm.s32 $0x2;
	v3 =	vimm.s32 $0x3;
	s15 =	sadd.s32 s6, s26;
	s16 =	sadd.s32 s7, s10;
	s26 =	simm.s32 $0x9100  }
.LBB2_1:
0x14: {  	s2 =	simm.s32 $0x0;
	s10 =	simm.s32 $0x200  }
.LBB2_2:
0x15: {  	p0 =	sne.s32 s10, $0xFE00;
	[tilespmem:s2+$0x70] =	vst v0  }
0x16: {  	[tilespmem:s2+$0x0] =	vst v0  }
0x17: {  	[tilespmem:s2+$0x10] =	vst v0  }
.Ltmp0:
0x18: {  	[tilespmem:s2+$0x20] =	vst v0;
	(pc) =	sbr.rel @p0 .LBB2_2-.Ltmp0, $4  }
0x19: {  	[tilespmem:s2+$0x30] =	vst v0  }
0x1a: {  	[tilespmem:s2+$0x40] =	vst v0  }
0x1b: {  	[tilespmem:s2+$0x50] =	vst v0  }
0x1c: {  	[tilespmem:s2+$0x60] =	vst v0;
	s2 =	sshra.s32 s10, $0x2;
	s10 =	sadd.s32 $0x200, s10  }
0x1d: {  	[tilespmem:s2+$0x70] =	vst v0  }
0x1e: {  	[tilespmem:s2+$0x0] =	vst v0  }
0x1f: {  	[tilespmem:s2+$0x10] =	vst v0  }
0x20: {  	[tilespmem:s2+$0x20] =	vst v0  }
0x21: {  	[tilespmem:s2+$0x30] =	vst v0  }
0x22: {  	[tilespmem:s2+$0x40] =	vst v0  }
0x23: {  	[tilespmem:s2+$0x50] =	vst v0  }
0x24: {  	[tilespmem:s2+$0x60] =	vst v0  }
0x25: {  	[spmem:s8] =	stream.linear.scatter [tilespmem:s31], [sflag:$0x2], $0x4000, $0x38;
	[tilespmem:$0x1CE80] =	vst v63  }
0x26: {  	_ =	swait.ge [sflag:s19], $0x4000  }
0x27: {  	[sflag:s19] =	ssyncset.done $0x0  }
0x28: {  	s10 =	rddreg [dreg:$0x3];
	[sflag:s19] =	ssyncadd.s32 $0xFFFFC000  }
0x29: {  	[spmem:s10] =	stream.linear.scatter [tilespmem:s31], [sflag:$0x2], $0x4000, $0x38;
	[tilespmem:$0x1CE80] =	vst v63  }
0x2a: {  	_ =	swait.ge [sflag:s19], $0x4000  }
0x2b: {  	[sflag:s19] =	ssyncset.done $0x0  }
0x2c: {  	s11 =	rddreg [dreg:$0x4];
	[sflag:s19] =	ssyncadd.s32 $0xFFFFC000  }
0x2d: {  	[spmem:s11] =	stream.linear.scatter [tilespmem:s31], [sflag:$0x2], $0x4000, $0x38;
	[tilespmem:$0x1CE80] =	vst v63  }
0x2e: {  	_ =	swait.ge [sflag:s19], $0x4000  }
0x2f: {  	[sflag:s19] =	ssyncset.done $0x0  }
0x30: {  	s12 =	rddreg [dreg:$0x5];
	[sflag:s19] =	ssyncadd.s32 $0xFFFFC000  }
0x31: {  	[spmem:s12] =	stream.linear.scatter [tilespmem:s31], [sflag:$0x2], $0x4000, $0x38;
	[tilespmem:$0x1CE80] =	vst v63  }
0x32: {  	_ =	swait.ge [sflag:s19], $0x4000  }
0x33: {  	[sflag:s19] =	ssyncset.done $0x0  }
0x34: {  	s13 =	rddreg [dreg:$0x6];
	[sflag:s19] =	ssyncadd.s32 $0xFFFFC000  }
0x35: {  	[spmem:s13] =	stream.linear.scatter [tilespmem:s31], [sflag:$0x2], $0x3C00, $0x38;
	[tilespmem:$0x1CE80] =	vst v63  }
0x36: {  	_ =	swait.ge [sflag:s19], $0x3C00  }
0x37: {  	[sflag:s19] =	ssyncset.done $0x0  }
0x38: {  	[sflag:s19] =	ssyncadd.s32 $0xFFFFC400  }
0x39: {  	s2 =	simm.s32 $0x0;
	[bflag:$0x0] =	sbarrier.arrive $0xFFFF  }
.LBB2_4:
0x3a: {  	s10 =	sshll.u32 s2, $0x7  }
0x3b: {  	s10 =	sadd.s32 s9, s10  }
0x3c: {  	s11 =	sshrl.u32 s10, $0x3  }
0x3d: {  	s12 =	sadd.s32 s5, s11  }
0x3e: {  	[tilespmem:s20], [sflag:$0x2] =	stream.linear.gather [hbm4b:s12+s31], $0x80, $0x38;
	[tilespmem:$0x1CE80] =	vst v63  }
0x3f: {  	_ =	swait.ge [sflag:s19], $0x80  }
0x40: {  	[sflag:s19] =	ssyncset.done $0x0  }
0x41: {  	s11 =	sadd.s32 s6, s11;
	[sflag:s19] =	ssyncadd.s32 $0xFFFFFF80  }
0x42: {  	[tilespmem:s21], [sflag:$0x2] =	stream.linear.gather [hbm4b:s11+s31], $0x80, $0x38;
	[tilespmem:$0x1CE80] =	vst v63  }
0x43: {  	_ =	swait.ge [sflag:s19], $0x80  }
0x44: {  	[sflag:s19] =	ssyncset.done $0x0  }
0x45: {  	[sflag:s19] =	ssyncadd.s32 $0xFFFFFF80  }
0x46: {  	[tilespmem:s31], [sflag:$0x1] =	stream.indirect.gather [hbm4b:s4+s22], $0x80, s20, s22, $0xb8;
	[tilespmem:$0x1CE80] =	vst v63  }
0x47: {  	_ =	swait.ge [sflag:s23], $0x4000  }
0x48: {  	s10 =	sshll.u32 s10, $0x4;
	[sflag:s23] =	ssyncset.done $0x0  }
0x49: {  	s10 =	sadd.s32 s7, s10;
	[sflag:s23] =	ssyncadd.s32 $0xFFFFC000  }
0x4a: {  	[tilespmem:s24], [sflag:$0x2] =	stream.linear.gather [hbm4b:s10+s31], $0x4000, $0x38;
	[tilespmem:$0x1CE80] =	vst v63  }
0x4b: {  	_ =	swait.ge [sflag:s19], $0x4000  }
0x4c: {  	[sflag:s19] =	ssyncset.done $0x0  }
0x4d: {  	s10 =	simm.s32 $0x0;
	[sflag:s19] =	ssyncadd.s32 $0xFFFFC000  }
0x4e: {  	v4 =	vld [tilespmem:s10+$0x4000];
	_ =	sdelay $0x4  }
0x4f: {  	[tilespmem:$0x9200] =	vst v4  }
0x50: {  	v4 =	vld [tilespmem:s10+$0x10]  }
0x51: {  	v5 =	vld.msk [tilespmem:s25+$0x0], $0xffff  }
0x52: {  	v6 =	vld [tilespmem:s10+$0x0];
	_ =	sdelay $0x3  }
0x53: {  	v4 =	vmul.f32 v4, v5  }
0x54: {  	v5 =	vmul.f32 v6, v5  }
0x55: {  	[tilespmem:s10+$0x10] =	vst v4  }
0x56: {  	[tilespmem:s10+$0x0] =	vst v5;
	v5 =	vld [tilespmem:s10+$0x20]  }
0x57: {  	v4 =	vld.idx.msk [tilespmem:v1+s25+$0x0], $0xffff  }
0x58: {  	v6 =	vld [tilespmem:s10+$0x30];
	_ =	sdelay $0x3  }
0x59: {  	v5 =	vmul.f32 v5, v4  }
0x5a: {  	v4 =	vmul.f32 v6, v4  }
0x5b: {  	[tilespmem:s10+$0x20] =	vst v5  }
0x5c: {  	[tilespmem:s10+$0x30] =	vst v4;
	v5 =	vld [tilespmem:s10+$0x40]  }
0x5d: {  	v4 =	vld.idx.msk [tilespmem:v2+s25+$0x0], $0xffff  }
0x5e: {  	v6 =	vld [tilespmem:s10+$0x50];
	_ =	sdelay $0x3  }
0x5f: {  	v5 =	vmul.f32 v5, v4  }
0x60: {  	v4 =	vmul.f32 v6, v4  }
0x61: {  	v6 =	vld [tilespmem:s10+$0x60];
	[tilespmem:s10+$0x40] =	vst v5  }
0x62: {  	[tilespmem:s10+$0x50] =	vst v4;
	v4 =	vld [tilespmem:s10+$0x70]  }
0x63: {  	s12 =	simm.s32 $0x400;
	s11 =	simm.s32 $0x200;
	v5 =	vld.idx.msk [tilespmem:v3+s25+$0x0], $0xffff  }
.LBB2_5:
0x64: {  	_ = 	snop  }
0x65: {  	p0 =	sne.s32 s12, $0xFE00  }
0x66: {  	s13 =	sshra.s32 s11, $0x2;
	s11 =	smov.u32 s12;
	s12 =	sadd.s32 $0x200, s12  }
0x67: {  	v7 =	vld [tilespmem:s13+$0x4000]  }
0x68: {  	v4 =	vmul.f32 v4, v5;
	v6 =	vmul.f32 v6, v5;
	_ =	sdelay $0x1  }
0x69: {  	[tilespmem:s10+$0x60] =	vst v6  }
0x6a: {  	[tilespmem:s10+$0x70] =	vst v4;
	s10 =	smov.u32 s13  }
0x6b: {  	[tilespmem:$0x9200] =	vst v7  }
0x6c: {  	v4 =	vld [tilespmem:s10+$0x10]  }
0x6d: {  	v5 =	vld.msk [tilespmem:s25+$0x0], $0xffff  }
0x6e: {  	v6 =	vld [tilespmem:s10+$0x0];
	_ =	sdelay $0x3  }
0x6f: {  	v4 =	vmul.f32 v4, v5  }
0x70: {  	v5 =	vmul.f32 v6, v5  }
0x71: {  	[tilespmem:s10+$0x10] =	vst v4  }
0x72: {  	[tilespmem:s10+$0x0] =	vst v5;
	v4 =	vld [tilespmem:s10+$0x30]  }
0x73: {  	v5 =	vld.idx.msk [tilespmem:v1+s25+$0x0], $0xffff  }
0x74: {  	v6 =	vld [tilespmem:s10+$0x20];
	_ =	sdelay $0x4  }
0x75: {  	v4 =	vmul.f32 v4, v5;
	v6 =	vmul.f32 v6, v5;
	_ =	sdelay $0x1  }
0x76: {  	[tilespmem:s10+$0x20] =	vst v6  }
0x77: {  	[tilespmem:s10+$0x30] =	vst v4;
	v4 =	vld [tilespmem:s10+$0x50]  }
0x78: {  	v5 =	vld.idx.msk [tilespmem:v2+s25+$0x0], $0xffff  }
0x79: {  	v6 =	vld [tilespmem:s10+$0x40];
	_ =	sdelay $0x4  }
0x7a: {  	v4 =	vmul.f32 v4, v5;
	v6 =	vmul.f32 v6, v5  }
.Ltmp1:
0x7b: {  	(pc) =	sbr.rel @p0 .LBB2_5-.Ltmp1, $4  }
0x7c: {  	[tilespmem:s10+$0x40] =	vst v6  }
0x7d: {  	[tilespmem:s10+$0x50] =	vst v4;
	v4 =	vld [tilespmem:s10+$0x70]  }
0x7e: {  	v5 =	vld.idx.msk [tilespmem:v3+s25+$0x0], $0xffff  }
0x7f: {  	v6 =	vld [tilespmem:s10+$0x60]  }
0x80: {  	_ = 	snop  }
0x81: {  	s11 =	sshra.s32 s11, $0x2  }
0x82: {  	v7 =	vld [tilespmem:s11+$0x4000]  }
0x83: {  	v4 =	vmul.f32 v4, v5  }
0x84: {  	v6 =	vmul.f32 v6, v5  }
0x85: {  	[tilespmem:s10+$0x70] =	vst v4  }
0x86: {  	[tilespmem:s10+$0x60] =	vst v6  }
0x87: {  	[tilespmem:$0x9200] =	vst v7  }
0x88: {  	v4 =	vld [tilespmem:s11+$0x10]  }
0x89: {  	v5 =	vld.msk [tilespmem:s25+$0x0], $0xffff  }
0x8a: {  	v6 =	vld [tilespmem:s11+$0x0];
	_ =	sdelay $0x3  }
0x8b: {  	v4 =	vmul.f32 v4, v5  }
0x8c: {  	v5 =	vmul.f32 v6, v5  }
0x8d: {  	[tilespmem:s11+$0x10] =	vst v4  }
0x8e: {  	[tilespmem:s11+$0x0] =	vst v5;
	v5 =	vld [tilespmem:s11+$0x20]  }
0x8f: {  	v4 =	vld.idx.msk [tilespmem:v1+s25+$0x0], $0xffff  }
0x90: {  	v61 =	vld [tilespmem:s11+$0x30];
	_ =	sdelay $0x3  }
0x91: {  	v5 =	vmul.f32 v5, v4  }
0x92: {  	v4 =	vmul.f32 v61, v4  }
0x93: {  	[tilespmem:s11+$0x20] =	vst v5  }
0x94: {  	[tilespmem:s11+$0x30] =	vst v4;
	v5 =	vld [tilespmem:s11+$0x40]  }
0x95: {  	v4 =	vld.idx.msk [tilespmem:v2+s25+$0x0], $0xffff  }
0x96: {  	v62 =	vld [tilespmem:s11+$0x50];
	_ =	sdelay $0x3  }
0x97: {  	v5 =	vmul.f32 v5, v4  }
0x98: {  	v4 =	vmul.f32 v62, v4  }
0x99: {  	[tilespmem:s11+$0x40] =	vst v5  }
0x9a: {  	[tilespmem:s11+$0x50] =	vst v4;
	v5 =	vld [tilespmem:s11+$0x60]  }
0x9b: {  	v4 =	vld.idx.msk [tilespmem:v3+s25+$0x0], $0xffff  }
0x9c: {  	v63 =	vld [tilespmem:s11+$0x70];
	_ =	sdelay $0x3  }
0x9d: {  	v5 =	vmul.f32 v5, v4  }
0x9e: {  	s2 =	sadd.s32 $0x1, s2;
	v4 =	vmul.f32 v63, v4  }
0x9f: {  	p0 =	sne.s32 s2, $0x4E;
	[tilespmem:s11+$0x60] =	vst v5  }
.Ltmp2:
0xa0: {  	[tilespmem:s11+$0x70] =	vst v4;
	(pc) =	sbr.rel @p0 .LBB2_4-.Ltmp2, $4  }
0xa1: {  	[spmem:s1] =	stream.indirect.scatter.add.f32 [tilespmem:s3], [sflag:$0x2], $0x80, s21, s22, $0xb8;
	[tilespmem:$0x1CE80] =	vst v63  }
0xa2: {  	_ =	swait.ge [sflag:s19], $0x4000  }
0xa3: {  	[sflag:s19] =	ssyncset.done $0x0  }
0xa4: {  	[sflag:s19] =	ssyncadd.s32 $0xFFFFC000  }
0xa5: {  	s2 =	simm.s32 $0x0  }
0xa6: {  	[tilespmem:s26], [sflag:$0x2] =	stream.linear.gather [hbm4b:s14+s2], $0x10, $0x38;
	[tilespmem:$0x1CE80] =	vst v63  }
0xa7: {  	_ =	swait.ge [sflag:s19], $0x10  }
0xa8: {  	[sflag:s19] =	ssyncset.done $0x0  }
0xa9: {  	[sflag:s19] =	ssyncadd.s32 $0xFFFFFFF0  }
0xaa: {  	[tilespmem:s28], [sflag:$0x2] =	stream.linear.gather [hbm4b:s15+s2], $0x10, $0x38;
	[tilespmem:$0x1CE80] =	vst v63  }
0xab: {  	_ =	swait.ge [sflag:s19], $0x10  }
0xac: {  	[sflag:s19] =	ssyncset.done $0x0  }
0xad: {  	[sflag:s19] =	ssyncadd.s32 $0xFFFFFFF0  }
0xae: {  	[tilespmem:s30], [sflag:$0x1] =	stream.indirect.gather [hbm4b:s4+s29], $0x80, s26, s29, $0xb8;
	[tilespmem:$0x1CE80] =	vst v63  }
0xaf: {  	_ =	swait.ge [sflag:s23], $0x800  }
0xb0: {  	[sflag:s23] =	ssyncset.done $0x0  }
0xb1: {  	s10 =	simm.s32 $0x8900;
	[sflag:s23] =	ssyncadd.s32 $0xFFFFF800  }
0xb2: {  	[tilespmem:s10], [sflag:$0x2] =	stream.linear.gather [hbm4b:s16+s2], $0x800, $0x38;
	[tilespmem:$0x1CE80] =	vst v63  }
0xb3: {  	_ =	swait.ge [sflag:s19], $0x800  }
0xb4: {  	[sflag:s19] =	ssyncset.done $0x0  }
0xb5: {  	s2 =	simm.s32 $0x0;
	[sflag:s19] =	ssyncadd.s32 $0xFFFFF800  }
0xb6: {  	v4 =	vld [tilespmem:s2+$0x8900];
	_ =	sdelay $0x4  }
0xb7: {  	[tilespmem:$0x9200] =	vst v4  }
0xb8: {  	v4 =	vld [tilespmem:s2+$0x8110]  }
0xb9: {  	v5 =	vld.msk [tilespmem:s25+$0x0], $0xffff  }
0xba: {  	v6 =	vld [tilespmem:s2+$0x8100];
	_ =	sdelay $0x3  }
0xbb: {  	v4 =	vmul.f32 v4, v5  }
0xbc: {  	v5 =	vmul.f32 v6, v5  }
0xbd: {  	[tilespmem:s2+$0x8110] =	vst v4  }
0xbe: {  	[tilespmem:s2+$0x8100] =	vst v5;
	v5 =	vld [tilespmem:s2+$0x8120]  }
0xbf: {  	v4 =	vld.idx.msk [tilespmem:v1+s25+$0x0], $0xffff  }
0xc0: {  	v6 =	vld [tilespmem:s2+$0x8130];
	_ =	sdelay $0x3  }
0xc1: {  	v5 =	vmul.f32 v5, v4  }
0xc2: {  	v4 =	vmul.f32 v6, v4  }
0xc3: {  	[tilespmem:s2+$0x8120] =	vst v5  }
0xc4: {  	[tilespmem:s2+$0x8130] =	vst v4;
	v5 =	vld [tilespmem:s2+$0x8140]  }
0xc5: {  	v4 =	vld.idx.msk [tilespmem:v2+s25+$0x0], $0xffff  }
0xc6: {  	v6 =	vld [tilespmem:s2+$0x8150];
	_ =	sdelay $0x3  }
0xc7: {  	v5 =	vmul.f32 v5, v4  }
0xc8: {  	v4 =	vmul.f32 v6, v4  }
0xc9: {  	v6 =	vld [tilespmem:s2+$0x8160];
	[tilespmem:s2+$0x8140] =	vst v5  }
0xca: {  	[tilespmem:s2+$0x8150] =	vst v4;
	v4 =	vld [tilespmem:s2+$0x8170]  }
0xcb: {  	s11 =	simm.s32 $0x400;
	s10 =	simm.s32 $0x200;
	v5 =	vld.idx.msk [tilespmem:v3+s25+$0x0], $0xffff  }
.LBB2_8:
0xcc: {  	_ = 	snop  }
0xcd: {  	p0 =	sne.s32 s11, $0x1E00  }
0xce: {  	s12 =	sshra.s32 s10, $0x2;
	s10 =	smov.u32 s11;
	s11 =	sadd.s32 $0x200, s11  }
0xcf: {  	v7 =	vld [tilespmem:s12+$0x8900]  }
0xd0: {  	v4 =	vmul.f32 v4, v5;
	v6 =	vmul.f32 v6, v5;
	_ =	sdelay $0x1  }
0xd1: {  	[tilespmem:s2+$0x8160] =	vst v6  }
0xd2: {  	[tilespmem:s2+$0x8170] =	vst v4;
	s2 =	smov.u32 s12  }
0xd3: {  	[tilespmem:$0x9200] =	vst v7  }
0xd4: {  	v4 =	vld [tilespmem:s2+$0x8110]  }
0xd5: {  	v5 =	vld.msk [tilespmem:s25+$0x0], $0xffff  }
0xd6: {  	v6 =	vld [tilespmem:s2+$0x8100];
	_ =	sdelay $0x3  }
0xd7: {  	v4 =	vmul.f32 v4, v5  }
0xd8: {  	v5 =	vmul.f32 v6, v5  }
0xd9: {  	[tilespmem:s2+$0x8110] =	vst v4  }
0xda: {  	[tilespmem:s2+$0x8100] =	vst v5;
	v4 =	vld [tilespmem:s2+$0x8130]  }
0xdb: {  	v5 =	vld.idx.msk [tilespmem:v1+s25+$0x0], $0xffff  }
0xdc: {  	v6 =	vld [tilespmem:s2+$0x8120];
	_ =	sdelay $0x4  }
0xdd: {  	v4 =	vmul.f32 v4, v5;
	v6 =	vmul.f32 v6, v5;
	_ =	sdelay $0x1  }
0xde: {  	[tilespmem:s2+$0x8120] =	vst v6  }
0xdf: {  	[tilespmem:s2+$0x8130] =	vst v4;
	v4 =	vld [tilespmem:s2+$0x8150]  }
0xe0: {  	v5 =	vld.idx.msk [tilespmem:v2+s25+$0x0], $0xffff  }
0xe1: {  	v6 =	vld [tilespmem:s2+$0x8140];
	_ =	sdelay $0x4  }
0xe2: {  	v4 =	vmul.f32 v4, v5;
	v6 =	vmul.f32 v6, v5  }
.Ltmp3:
0xe3: {  	(pc) =	sbr.rel @p0 .LBB2_8-.Ltmp3, $4  }
0xe4: {  	[tilespmem:s2+$0x8140] =	vst v6  }
0xe5: {  	[tilespmem:s2+$0x8150] =	vst v4;
	v4 =	vld [tilespmem:s2+$0x8170]  }
0xe6: {  	v5 =	vld.idx.msk [tilespmem:v3+s25+$0x0], $0xffff  }
0xe7: {  	v6 =	vld [tilespmem:s2+$0x8160]  }
0xe8: {  	_ = 	snop  }
0xe9: {  	s10 =	sshra.s32 s10, $0x2  }
0xea: {  	v7 =	vld [tilespmem:s10+$0x8900]  }
0xeb: {  	v4 =	vmul.f32 v4, v5  }
0xec: {  	v6 =	vmul.f32 v6, v5  }
0xed: {  	[tilespmem:s2+$0x8170] =	vst v4  }
0xee: {  	[tilespmem:s2+$0x8160] =	vst v6  }
0xef: {  	[tilespmem:$0x9200] =	vst v7  }
0xf0: {  	v4 =	vld [tilespmem:s10+$0x8110]  }
0xf1: {  	v5 =	vld.msk [tilespmem:s25+$0x0], $0xffff  }
0xf2: {  	v6 =	vld [tilespmem:s10+$0x8100];
	_ =	sdelay $0x3  }
0xf3: {  	v4 =	vmul.f32 v4, v5  }
0xf4: {  	v5 =	vmul.f32 v6, v5  }
0xf5: {  	[tilespmem:s10+$0x8110] =	vst v4  }
0xf6: {  	[tilespmem:s10+$0x8100] =	vst v5;
	v5 =	vld [tilespmem:s10+$0x8120]  }
0xf7: {  	v4 =	vld.idx.msk [tilespmem:v1+s25+$0x0], $0xffff  }
0xf8: {  	v61 =	vld [tilespmem:s10+$0x8130];
	_ =	sdelay $0x3  }
0xf9: {  	v5 =	vmul.f32 v5, v4  }
0xfa: {  	v4 =	vmul.f32 v61, v4  }
0xfb: {  	[tilespmem:s10+$0x8120] =	vst v5  }
0xfc: {  	[tilespmem:s10+$0x8130] =	vst v4;
	v5 =	vld [tilespmem:s10+$0x8140]  }
0xfd: {  	v4 =	vld.idx.msk [tilespmem:v2+s25+$0x0], $0xffff  }
0xfe: {  	v62 =	vld [tilespmem:s10+$0x8150];
	_ =	sdelay $0x3  }
0xff: {  	v5 =	vmul.f32 v5, v4  }
0x100: {  	v4 =	vmul.f32 v62, v4  }
0x101: {  	[tilespmem:s10+$0x8140] =	vst v5  }
0x102: {  	[tilespmem:s10+$0x8150] =	vst v4;
	v5 =	vld [tilespmem:s10+$0x8160]  }
0x103: {  	v4 =	vld.idx.msk [tilespmem:v3+s25+$0x0], $0xffff  }
0x104: {  	v63 =	vld [tilespmem:s10+$0x8170];
	_ =	sdelay $0x3  }
0x105: {  	v5 =	vmul.f32 v5, v4  }
0x106: {  	v4 =	vmul.f32 v63, v4  }
0x107: {  	[tilespmem:s10+$0x8160] =	vst v5  }
0x108: {  	[tilespmem:s10+$0x8170] =	vst v4  }
0x109: {  	[spmem:s1] =	stream.indirect.scatter.add.f32 [tilespmem:s30], [sflag:$0x2], $0x80, s28, s29, $0xb8;
	[tilespmem:$0x1CE80] =	vst v63  }
0x10a: {  	s12 =	stileid.u32;
	_ =	swait.ge [sflag:s19], $0x800  }
0x10b: {  	s13 =	sshrl.u32 s8, $0x3;
	s0 =	sadd.s32 $0x1, s0;
	[sflag:s19] =	ssyncset.done $0x0  }
0x10c: {  	p0 =	sne.s32 s0, s18;
	s2 =	sshll.u32 s12, $0x6;
	[sflag:s19] =	ssyncadd.s32 $0xFFFFF800  }
.Ltmp4:
0x10d: {  	s2 =	sor.u32 $0x1C02, s2;
	[bflag:$0x0] =	sbarrier.arrive $0xFFFF;
	(pc) =	sbr.rel @p0 .LBB2_1-.Ltmp4, $4  }
0x10e: {  	[hbm:s17], [sflag:s2] =	dma.local [spmem:s13], $0x2780  }
0x10f: {  	_ =	swait.ge [sflag:s19], $0x2780  }
0x110: {  	[sflag:s19] =	ssyncset.done $0x0  }
0x111: {  	[sflag:s19] =	ssyncadd.s32 $0xFFFFD880  }
0x112: {  	_ =	sfence.sel $0x180000  }
0x113: {  	[bflag:$0x0] =	sbarrier.arrive $0xFFFF  }
0x114: {  	_ =	strace $0x9000004A  }
0x115: {  	s0 =	stileid.u32;
	[bflag:$0x2] =	sbarrier.arrive $0xFFFF  }
0x116: {  	p0 =	sne.s32 s0, $0x0;
	s0 =	rddreg [dreg:$0x2]  }
0x117: {  	s0 =	sadd.s32 @!p0 $0x100000, s0  }
0x118: {  	[sflag:s0] =	ssyncadd.tile.s32 @!p0 $0x1;
	_ =	shalt  }
.Lfunc_end2:
_tile_overlayer_lowered:
.L_overlay_start_2:
0x119: {  	(tag) =	ssettag $0x2  }
0x11a: {  	s0 =	rddreg [dreg:$0x0];
	s2 =	stileid.u32  }
0x11b: {  	s1 =	rddreg [dreg:$0x1];
	p0 =	sne.s32 s2, $0x0  }
0x11c: {  	s3 =	rddreg [dreg:$0x2];
	[bflag:$0x3] =	sbarrier.arrive $0xFFFF;
	s2 =	simm.s32 @!p0 $0x1C02  }
0x11d: {  	[timem:s3], [sflag:s2] =	dma.local @!p0 [hbm:s0], s1  }
0x11e: {  	s0 =	simm.s32 @!p0 $0x2  }
0x11f: {  	_ =	swait.ge @!p0 [sflag:s0], s1  }
0x120: {  	s1 =	ssub.s32 @!p0 $0x0, s1;
	[sflag:s0] =	ssyncset.done @!p0 $0x0  }
0x121: {  	[sflag:s0] =	ssyncadd.s32 @!p0 s1  }
0x122: {  	[bflag:$0x3] =	sbarrier.arrive $0xFFFF  }
0x123: {  	_ =	shalt  }

</sc_bundles>
